<compile_context>
chip_gen: v7x
topology: tpu7x:2x2x1
jax: 0.10.2.dev20260603
libtpu: 0.0.44.dev20260713+nightly
codegen_flags: <defaults>
</compile_context>

<pallas_src>
import functools

import jax
import jax.numpy as jnp
from jax import lax
from jax.experimental import pallas as pl
from jax.experimental.pallas import tpu as pltpu
from jax.experimental.pallas import tpu_sc as plsc


@functools.lru_cache(maxsize=None)
def _build(B, D, N, NC, NS):
    NW = NC * NS
    b_per_w = B // NW
    C = 128
    NCH = b_per_w // C
    NSLOT = 3

    mesh = plsc.VectorSubcoreMesh(core_axis_name="c", subcore_axis_name="s")

    @functools.partial(
        pl.kernel,
        mesh=mesh,
        out_type=(
            jax.ShapeDtypeStruct((B, D), jnp.float32),
            jax.ShapeDtypeStruct((B, D), jnp.float32),
            jax.ShapeDtypeStruct((B,), jnp.float32),
        ),
        scratch_types=(
            [pltpu.VMEM((NCH, C), jnp.int32),
             pltpu.VMEM((b_per_w,), jnp.float32),
             pltpu.VMEM((b_per_w,), jnp.float32)]
            + [pltpu.VMEM((C, D), jnp.float32) for _ in range(2 * NSLOT)]
            + [pltpu.SemaphoreType.DMA for _ in range(2 * NSLOT)]
            + [pltpu.SemaphoreType.DMA]
        ),
    )
    def k(nids_hbm, ts_hbm, left_hbm, right_hbm, pts_hbm,
          hl_out, hr_out, pts_out,
          idx_v, ts_v, pts_v, *rest):
        rowbufs = rest[:2 * NSLOT]
        gsems = rest[2 * NSLOT:3 * NSLOT]
        wsems = rest[3 * NSLOT:4 * NSLOT]
        psem = rest[4 * NSLOT]
        bufs = tuple((rowbufs[2 * s], rowbufs[2 * s + 1])
                     for s in range(NSLOT))
        wid = lax.axis_index("s") * NC + lax.axis_index("c")
        base = wid * b_per_w
        pltpu.sync_copy(nids_hbm.at[wid], idx_v)

        def fire_gather(j, slot):
            ij = idx_v.at[j]
            l, r = bufs[slot]
            return (pltpu.async_copy(left_hbm.at[ij], l, gsems[slot]),
                    pltpu.async_copy(right_hbm.at[ij], r, gsems[slot]))

        pcps = [pltpu.async_copy(pts_hbm.at[idx_v.at[j]],
                                 pts_v.at[pl.ds(j * C, C)], psem)
                for j in range(NCH)]
        tscp = pltpu.async_copy(ts_hbm.at[pl.ds(base, b_per_w)], ts_v, psem)

        AHEAD = NSLOT - 1
        pending_g = [None] * NSLOT
        pending_w = [None] * NSLOT
        for j0 in range(min(AHEAD, NCH)):
            pending_g[j0 % NSLOT] = fire_gather(j0, j0 % NSLOT)
        for cp in pcps:
            cp.wait()
        tscp.wait()
        for i in range(b_per_w // 16):
            sl = pl.ds(i * 16, 16)
            pts_v[sl] = jnp.minimum(pts_v[sl], ts_v[sl])
        pwcp = pltpu.async_copy(pts_v, pts_out.at[pl.ds(base, b_per_w)], psem)

        for j in range(NCH):
            slot = j % NSLOT
            f = j + AHEAD
            if f < NCH:
                fslot = f % NSLOT
                if pending_w[fslot] is not None:
                    for cp in pending_w[fslot]:
                        cp.wait()
                    pending_w[fslot] = None
                pending_g[fslot] = fire_gather(f, fslot)
            for cp in pending_g[slot]:
                cp.wait()
            l, r = bufs[slot]
            o = pl.ds(base + j * C, C)
            pending_w[slot] = (
                pltpu.async_copy(l, hl_out.at[o], wsems[slot]),
                pltpu.async_copy(r, hr_out.at[o], wsems[slot]))
        pwcp.wait()
        for pw in pending_w:
            if pw is not None:
                for cp in pw:
                    cp.wait()

    return k, NW, NCH, C


def kernel(nids, ts, left_weight, right_weight, prev_ts_table):
    B, = nids.shape
    N, D = left_weight.shape
    info = plsc.get_sparse_core_info()
    k, NW, NCH, C = _build(B, D, N, info.num_cores, info.num_subcores)
    nids3 = nids.astype(jnp.int32).reshape(NW, NCH, C)
    h_left, h_right, prev_ts = k(nids3, ts, left_weight, right_weight,
                                 prev_ts_table)
    return (h_left, h_right, prev_ts)

# --- scband reference (transcript-rebuilt; emitter-appended) ---
"""Pipeline reference for scband-static-restarter-6296422056479 (READ-ONLY COPY).

The authoritative reference and input builder live on the scoring server;
editing this copy changes nothing except your own understanding.
"""

import jax, jax.numpy as jnp
import numpy as np

N_NODES = 100000
D = 128
B = 16384


def setup_inputs(seed: int = 0) -> dict:
    key = jax.random.key(seed)
    k1, k2, k3, k4, k5 = jax.random.split(key, 5)
    nids = jax.random.randint(k1, (B,), 0, N_NODES, dtype=jnp.int64 if jax.config.jax_enable_x64 else jnp.int32)
    # event query timestamps
    ts = jax.random.uniform(k2, (B,), dtype=jnp.float32) * 1e6
    # learned embedding tables (left_emb / right_emb). Original inits to zeros;
    # we use small random values so outputs are numerically nontrivial.
    left_weight = jax.random.normal(k3, (N_NODES, D), dtype=jnp.float32) * 0.01
    right_weight = jax.random.normal(k4, (N_NODES, D), dtype=jnp.float32) * 0.01
    # graph state: last-interaction timestamp per node (stand-in for graph.get_history)
    prev_ts_table = jax.random.uniform(k5, (N_NODES,), dtype=jnp.float32) * 1e6
    return {"nids": nids, "ts": ts, "left_weight": left_weight, "right_weight": right_weight, "prev_ts_table": prev_ts_table}


def reference(nids, ts, left_weight, right_weight, prev_ts_table):
    # graph.get_history(nids, ts, 1): timestamp of most recent event strictly
    # before ts for each node -> emulated via per-node last-event-time table,
    # clipped so prev_ts <= ts.
    prev_ts = jnp.minimum(jnp.take(prev_ts_table, nids, axis=0), ts)
    # h_left = self.left_emb(nids); h_right = self.right_emb(nids)
    h_left = jnp.take(left_weight, nids, axis=0)
    h_right = jnp.take(right_weight, nids, axis=0)
    return (h_left, h_right, prev_ts)

if __name__ == "__main__":
    import jax
    _d = setup_inputs()
    print(jax.jit(kernel)(*tuple(_d.values())))

</pallas_src>

<mosaic_0001>
#map = affine_map<(d0, d1) -> (0, 0, 0)>
#map1 = affine_map<(d0, d1) -> (0)>
#map2 = affine_map<(d0, d1) -> (0, 0)>
module attributes {stable_mosaic.version = 14 : i64} {
  func.func @k(%arg0: i32, %arg1: i32, %arg2: memref<32x4x128xi32, #tpu.memory_space<hbm>>, %arg3: memref<16384xf32, #tpu.memory_space<hbm>>, %arg4: memref<100000x128xf32, #tpu.memory_space<hbm>>, %arg5: memref<100000x128xf32, #tpu.memory_space<hbm>>, %arg6: memref<100000xf32, #tpu.memory_space<hbm>>, %arg7: memref<16384x128xf32, #tpu.memory_space<hbm>>, %arg8: memref<16384x128xf32, #tpu.memory_space<hbm>>, %arg9: memref<16384xf32, #tpu.memory_space<hbm>>, %arg10: memref<4x128xi32, #tpu.memory_space<vmem>>, %arg11: memref<512xf32, #tpu.memory_space<vmem>>, %arg12: memref<512xf32, #tpu.memory_space<vmem>>, %arg13: memref<128x128xf32, #tpu.memory_space<vmem>>, %arg14: memref<128x128xf32, #tpu.memory_space<vmem>>, %arg15: memref<128x128xf32, #tpu.memory_space<vmem>>, %arg16: memref<128x128xf32, #tpu.memory_space<vmem>>, %arg17: memref<128x128xf32, #tpu.memory_space<vmem>>, %arg18: memref<128x128xf32, #tpu.memory_space<vmem>>, %arg19: memref<!tpu.dma_semaphore, #tpu.memory_space<semaphore_mem>>, %arg20: memref<!tpu.dma_semaphore, #tpu.memory_space<semaphore_mem>>, %arg21: memref<!tpu.dma_semaphore, #tpu.memory_space<semaphore_mem>>, %arg22: memref<!tpu.dma_semaphore, #tpu.memory_space<semaphore_mem>>, %arg23: memref<!tpu.dma_semaphore, #tpu.memory_space<semaphore_mem>>, %arg24: memref<!tpu.dma_semaphore, #tpu.memory_space<semaphore_mem>>, %arg25: memref<!tpu.dma_semaphore, #tpu.memory_space<semaphore_mem>>) attributes {dimension_semantics = [#tpu.dimension_semantics<core_parallel>, #tpu.dimension_semantics<subcore_parallel>], iteration_bounds = array<i64: 2, 16>, scalar_prefetch = 0 : i64, scratch_operands = 16 : i64, tpu.core_type = #tpu.core_type<sc_vector_subcore>, window_params = [{transform_indices = #map}, {transform_indices = #map1}, {transform_indices = #map2}, {transform_indices = #map2}, {transform_indices = #map1}, {transform_indices = #map2}, {transform_indices = #map2}, {transform_indices = #map1}]} {
    %mul3A = arith.constant 2 : i32
    %mul3A_0 = arith.muli %arg1, %mul3A : i32
    %add3A = arith.addi %mul3A_0, %arg0 : i32
    %mul3A_1 = arith.constant 512 : i32
    %mul3A_2 = arith.muli %add3A, %mul3A_1 : i32
    "tpu.region"() ({
      %run_scoped3A = tpu.sem_alloc : memref<!tpu.dma_semaphore, #tpu.memory_space<semaphore_mem>>
      %dma_start3A_606 = arith.constant 0 : i32
      %dma_start3A_607 = arith.constant 0 : i32
      %dma_start3A_608 = tpu.memref_slice %arg2[%add3A, %dma_start3A_606, %dma_start3A_607] : memref<32x4x128xi32, #tpu.memory_space<hbm>> -> memref<1x4x128xi32, #tpu.memory_space<hbm>>
      %dma_start3A_609 = tpu.memref_squeeze %dma_start3A_608 : memref<1x4x128xi32, #tpu.memory_space<hbm>> -> memref<4x128xi32, #tpu.memory_space<hbm>>
      %dma_start3A_610 = arith.constant 0 : i32
      %dma_start3A_611 = arith.constant 0 : i32
      %dma_start3A_612 = tpu.memref_slice %arg2[%add3A, %dma_start3A_610, %dma_start3A_611] : memref<32x4x128xi32, #tpu.memory_space<hbm>> -> memref<1x4x128xi32, #tpu.memory_space<hbm>>
      %dma_start3A_613 = tpu.memref_squeeze %dma_start3A_612 : memref<1x4x128xi32, #tpu.memory_space<hbm>> -> memref<4x128xi32, #tpu.memory_space<hbm>>
      tpu.enqueue_dma source(%dma_start3A_613 : memref<4x128xi32, #tpu.memory_space<hbm>>) target(%arg10 : memref<4x128xi32, #tpu.memory_space<vmem>>) target_semaphore(%run_scoped3A : memref<!tpu.dma_semaphore, #tpu.memory_space<semaphore_mem>>)
      %dma_wait3A_614 = arith.constant 0 : i32
      %dma_wait3A_615 = arith.constant 0 : i32
      %dma_wait3A_616 = tpu.memref_slice %arg2[%add3A, %dma_wait3A_614, %dma_wait3A_615] : memref<32x4x128xi32, #tpu.memory_space<hbm>> -> memref<1x4x128xi32, #tpu.memory_space<hbm>>
      %dma_wait3A_617 = tpu.memref_squeeze %dma_wait3A_616 : memref<1x4x128xi32, #tpu.memory_space<hbm>> -> memref<4x128xi32, #tpu.memory_space<hbm>>
      %dma_wait3A_618 = arith.constant 0 : i32
      %dma_wait3A_619 = arith.constant 0 : i32
      %dma_wait3A_620 = tpu.memref_slice %arg2[%add3A, %dma_wait3A_618, %dma_wait3A_619] : memref<32x4x128xi32, #tpu.memory_space<hbm>> -> memref<1x4x128xi32, #tpu.memory_space<hbm>>
      %dma_wait3A_621 = tpu.memref_squeeze %dma_wait3A_620 : memref<1x4x128xi32, #tpu.memory_space<hbm>> -> memref<4x128xi32, #tpu.memory_space<hbm>>
      tpu.wait_dma2 semaphore(%run_scoped3A : memref<!tpu.dma_semaphore, #tpu.memory_space<semaphore_mem>>) src(%dma_wait3A_621 : memref<4x128xi32, #tpu.memory_space<hbm>>) dst(%arg10 : memref<4x128xi32, #tpu.memory_space<vmem>>)
      tpu.yield
    }) : () -> ()
    %dma_start3A = arith.constant 0 : i32
    %dma_start3A_3 = arith.constant 0 : i32
    %dma_start3A_4 = tpu.memref_slice %arg12[%dma_start3A_3] : memref<512xf32, #tpu.memory_space<vmem>> -> memref<128xf32, #tpu.memory_space<vmem>>
    %dma_start3A_5 = arith.constant 0 : i32
    %dma_start3A_6 = tpu.memref_slice %arg10[%dma_start3A, %dma_start3A_5] : memref<4x128xi32, #tpu.memory_space<vmem>> -> memref<1x128xi32, #tpu.memory_space<vmem>>
    %dma_start3A_7 = tpu.memref_squeeze %dma_start3A_6 : memref<1x128xi32, #tpu.memory_space<vmem>> -> memref<128xi32, #tpu.memory_space<vmem>>
    %dma_start3A_8 = arith.constant 0 : i32
    %dma_start3A_9 = tpu.memref_slice %arg6[%dma_start3A_8] : memref<100000xf32, #tpu.memory_space<hbm>> -> memref<100000xf32, #tpu.memory_space<hbm>>
    tpu.enqueue_indirect_dma source(%dma_start3A_9 : memref<100000xf32, #tpu.memory_space<hbm>>) target(%dma_start3A_4 : memref<128xf32, #tpu.memory_space<vmem>>) offsets(%dma_start3A_7 : memref<128xi32, #tpu.memory_space<vmem>>) semaphore(%arg25 : memref<!tpu.dma_semaphore, #tpu.memory_space<semaphore_mem>>)
    %dma_start3A_10 = arith.constant 1 : i32
    %dma_start3A_11 = arith.constant 128 : i32
    %dma_start3A_12 = tpu.memref_slice %arg12[%dma_start3A_11] : memref<512xf32, #tpu.memory_space<vmem>> -> memref<128xf32, #tpu.memory_space<vmem>>
    %dma_start3A_13 = arith.constant 0 : i32
    %dma_start3A_14 = tpu.memref_slice %arg10[%dma_start3A_10, %dma_start3A_13] : memref<4x128xi32, #tpu.memory_space<vmem>> -> memref<1x128xi32, #tpu.memory_space<vmem>>
    %dma_start3A_15 = tpu.memref_squeeze %dma_start3A_14 : memref<1x128xi32, #tpu.memory_space<vmem>> -> memref<128xi32, #tpu.memory_space<vmem>>
    %dma_start3A_16 = arith.constant 0 : i32
    %dma_start3A_17 = tpu.memref_slice %arg6[%dma_start3A_16] : memref<100000xf32, #tpu.memory_space<hbm>> -> memref<100000xf32, #tpu.memory_space<hbm>>
    tpu.enqueue_indirect_dma source(%dma_start3A_17 : memref<100000xf32, #tpu.memory_space<hbm>>) target(%dma_start3A_12 : memref<128xf32, #tpu.memory_space<vmem>>) offsets(%dma_start3A_15 : memref<128xi32, #tpu.memory_space<vmem>>) semaphore(%arg25 : memref<!tpu.dma_semaphore, #tpu.memory_space<semaphore_mem>>)
    %dma_start3A_18 = arith.constant 2 : i32
    %dma_start3A_19 = arith.constant 256 : i32
    %dma_start3A_20 = tpu.memref_slice %arg12[%dma_start3A_19] : memref<512xf32, #tpu.memory_space<vmem>> -> memref<128xf32, #tpu.memory_space<vmem>>
    %dma_start3A_21 = arith.constant 0 : i32
    %dma_start3A_22 = tpu.memref_slice %arg10[%dma_start3A_18, %dma_start3A_21] : memref<4x128xi32, #tpu.memory_space<vmem>> -> memref<1x128xi32, #tpu.memory_space<vmem>>
    %dma_start3A_23 = tpu.memref_squeeze %dma_start3A_22 : memref<1x128xi32, #tpu.memory_space<vmem>> -> memref<128xi32, #tpu.memory_space<vmem>>
    %dma_start3A_24 = arith.constant 0 : i32
    %dma_start3A_25 = tpu.memref_slice %arg6[%dma_start3A_24] : memref<100000xf32, #tpu.memory_space<hbm>> -> memref<100000xf32, #tpu.memory_space<hbm>>
    tpu.enqueue_indirect_dma source(%dma_start3A_25 : memref<100000xf32, #tpu.memory_space<hbm>>) target(%dma_start3A_20 : memref<128xf32, #tpu.memory_space<vmem>>) offsets(%dma_start3A_23 : memref<128xi32, #tpu.memory_space<vmem>>) semaphore(%arg25 : memref<!tpu.dma_semaphore, #tpu.memory_space<semaphore_mem>>)
    %dma_start3A_26 = arith.constant 3 : i32
    %dma_start3A_27 = arith.constant 384 : i32
    %dma_start3A_28 = tpu.memref_slice %arg12[%dma_start3A_27] : memref<512xf32, #tpu.memory_space<vmem>> -> memref<128xf32, #tpu.memory_space<vmem>>
    %dma_start3A_29 = arith.constant 0 : i32
    %dma_start3A_30 = tpu.memref_slice %arg10[%dma_start3A_26, %dma_start3A_29] : memref<4x128xi32, #tpu.memory_space<vmem>> -> memref<1x128xi32, #tpu.memory_space<vmem>>
    %dma_start3A_31 = tpu.memref_squeeze %dma_start3A_30 : memref<1x128xi32, #tpu.memory_space<vmem>> -> memref<128xi32, #tpu.memory_space<vmem>>
    %dma_start3A_32 = arith.constant 0 : i32
    %dma_start3A_33 = tpu.memref_slice %arg6[%dma_start3A_32] : memref<100000xf32, #tpu.memory_space<hbm>> -> memref<100000xf32, #tpu.memory_space<hbm>>
    tpu.enqueue_indirect_dma source(%dma_start3A_33 : memref<100000xf32, #tpu.memory_space<hbm>>) target(%dma_start3A_28 : memref<128xf32, #tpu.memory_space<vmem>>) offsets(%dma_start3A_31 : memref<128xi32, #tpu.memory_space<vmem>>) semaphore(%arg25 : memref<!tpu.dma_semaphore, #tpu.memory_space<semaphore_mem>>)
    %dma_start3A_34 = tpu.memref_slice %arg3[%mul3A_2] : memref<16384xf32, #tpu.memory_space<hbm>> -> memref<512xf32, #tpu.memory_space<hbm>>
    %dma_start3A_35 = tpu.memref_slice %arg3[%mul3A_2] : memref<16384xf32, #tpu.memory_space<hbm>> -> memref<512xf32, #tpu.memory_space<hbm>>
    tpu.enqueue_dma source(%dma_start3A_35 : memref<512xf32, #tpu.memory_space<hbm>>) target(%arg11 : memref<512xf32, #tpu.memory_space<vmem>>) target_semaphore(%arg25 : memref<!tpu.dma_semaphore, #tpu.memory_space<semaphore_mem>>)
    %dma_start3A_36 = arith.constant 0 : i32
    %dma_start3A_37 = arith.constant 0 : i32
    %dma_start3A_38 = tpu.memref_slice %arg10[%dma_start3A_36, %dma_start3A_37] : memref<4x128xi32, #tpu.memory_space<vmem>> -> memref<1x128xi32, #tpu.memory_space<vmem>>
    %dma_start3A_39 = tpu.memref_squeeze %dma_start3A_38 : memref<1x128xi32, #tpu.memory_space<vmem>> -> memref<128xi32, #tpu.memory_space<vmem>>
    %dma_start3A_40 = arith.constant 0 : i32
    %dma_start3A_41 = arith.constant 0 : i32
    %dma_start3A_42 = tpu.memref_slice %arg4[%dma_start3A_40, %dma_start3A_41] : memref<100000x128xf32, #tpu.memory_space<hbm>> -> memref<100000x128xf32, #tpu.memory_space<hbm>>
    tpu.enqueue_indirect_dma source(%dma_start3A_42 : memref<100000x128xf32, #tpu.memory_space<hbm>>) target(%arg13 : memref<128x128xf32, #tpu.memory_space<vmem>>) offsets(%dma_start3A_39 : memref<128xi32, #tpu.memory_space<vmem>>) semaphore(%arg19 : memref<!tpu.dma_semaphore, #tpu.memory_space<semaphore_mem>>)
    %dma_start3A_43 = arith.constant 0 : i32
    %dma_start3A_44 = arith.constant 0 : i32
    %dma_start3A_45 = tpu.memref_slice %arg10[%dma_start3A_43, %dma_start3A_44] : memref<4x128xi32, #tpu.memory_space<vmem>> -> memref<1x128xi32, #tpu.memory_space<vmem>>
    %dma_start3A_46 = tpu.memref_squeeze %dma_start3A_45 : memref<1x128xi32, #tpu.memory_space<vmem>> -> memref<128xi32, #tpu.memory_space<vmem>>
    %dma_start3A_47 = arith.constant 0 : i32
    %dma_start3A_48 = arith.constant 0 : i32
    %dma_start3A_49 = tpu.memref_slice %arg5[%dma_start3A_47, %dma_start3A_48] : memref<100000x128xf32, #tpu.memory_space<hbm>> -> memref<100000x128xf32, #tpu.memory_space<hbm>>
    tpu.enqueue_indirect_dma source(%dma_start3A_49 : memref<100000x128xf32, #tpu.memory_space<hbm>>) target(%arg14 : memref<128x128xf32, #tpu.memory_space<vmem>>) offsets(%dma_start3A_46 : memref<128xi32, #tpu.memory_space<vmem>>) semaphore(%arg19 : memref<!tpu.dma_semaphore, #tpu.memory_space<semaphore_mem>>)
    %dma_start3A_50 = arith.constant 1 : i32
    %dma_start3A_51 = arith.constant 0 : i32
    %dma_start3A_52 = tpu.memref_slice %arg10[%dma_start3A_50, %dma_start3A_51] : memref<4x128xi32, #tpu.memory_space<vmem>> -> memref<1x128xi32, #tpu.memory_space<vmem>>
    %dma_start3A_53 = tpu.memref_squeeze %dma_start3A_52 : memref<1x128xi32, #tpu.memory_space<vmem>> -> memref<128xi32, #tpu.memory_space<vmem>>
    %dma_start3A_54 = arith.constant 0 : i32
    %dma_start3A_55 = arith.constant 0 : i32
    %dma_start3A_56 = tpu.memref_slice %arg4[%dma_start3A_54, %dma_start3A_55] : memref<100000x128xf32, #tpu.memory_space<hbm>> -> memref<100000x128xf32, #tpu.memory_space<hbm>>
    tpu.enqueue_indirect_dma source(%dma_start3A_56 : memref<100000x128xf32, #tpu.memory_space<hbm>>) target(%arg15 : memref<128x128xf32, #tpu.memory_space<vmem>>) offsets(%dma_start3A_53 : memref<128xi32, #tpu.memory_space<vmem>>) semaphore(%arg20 : memref<!tpu.dma_semaphore, #tpu.memory_space<semaphore_mem>>)
    %dma_start3A_57 = arith.constant 1 : i32
    %dma_start3A_58 = arith.constant 0 : i32
    %dma_start3A_59 = tpu.memref_slice %arg10[%dma_start3A_57, %dma_start3A_58] : memref<4x128xi32, #tpu.memory_space<vmem>> -> memref<1x128xi32, #tpu.memory_space<vmem>>
    %dma_start3A_60 = tpu.memref_squeeze %dma_start3A_59 : memref<1x128xi32, #tpu.memory_space<vmem>> -> memref<128xi32, #tpu.memory_space<vmem>>
    %dma_start3A_61 = arith.constant 0 : i32
    %dma_start3A_62 = arith.constant 0 : i32
    %dma_start3A_63 = tpu.memref_slice %arg5[%dma_start3A_61, %dma_start3A_62] : memref<100000x128xf32, #tpu.memory_space<hbm>> -> memref<100000x128xf32, #tpu.memory_space<hbm>>
    tpu.enqueue_indirect_dma source(%dma_start3A_63 : memref<100000x128xf32, #tpu.memory_space<hbm>>) target(%arg16 : memref<128x128xf32, #tpu.memory_space<vmem>>) offsets(%dma_start3A_60 : memref<128xi32, #tpu.memory_space<vmem>>) semaphore(%arg20 : memref<!tpu.dma_semaphore, #tpu.memory_space<semaphore_mem>>)
    %dma_wait3A = arith.constant 0 : i32
    %dma_wait3A_64 = arith.constant 0 : i32
    %dma_wait3A_65 = tpu.memref_slice %arg12[%dma_wait3A_64] : memref<512xf32, #tpu.memory_space<vmem>> -> memref<128xf32, #tpu.memory_space<vmem>>
    %dma_wait3A_66 = arith.constant 0 : i32
    %dma_wait3A_67 = tpu.memref_slice %arg10[%dma_wait3A, %dma_wait3A_66] : memref<4x128xi32, #tpu.memory_space<vmem>> -> memref<1x128xi32, #tpu.memory_space<vmem>>
    %dma_wait3A_68 = tpu.memref_squeeze %dma_wait3A_67 : memref<1x128xi32, #tpu.memory_space<vmem>> -> memref<128xi32, #tpu.memory_space<vmem>>
    %dma_wait3A_69 = arith.constant 0 : i32
    %dma_wait3A_70 = tpu.memref_slice %arg6[%dma_wait3A_69] : memref<100000xf32, #tpu.memory_space<hbm>> -> memref<100000xf32, #tpu.memory_space<hbm>>
    tpu.wait_indirect_dma semaphore(%arg25 : memref<!tpu.dma_semaphore, #tpu.memory_space<semaphore_mem>>) src(%dma_wait3A_70 : memref<100000xf32, #tpu.memory_space<hbm>>) dst(%dma_wait3A_65 : memref<128xf32, #tpu.memory_space<vmem>>)
    %dma_wait3A_71 = arith.constant 1 : i32
    %dma_wait3A_72 = arith.constant 128 : i32
    %dma_wait3A_73 = tpu.memref_slice %arg12[%dma_wait3A_72] : memref<512xf32, #tpu.memory_space<vmem>> -> memref<128xf32, #tpu.memory_space<vmem>>
    %dma_wait3A_74 = arith.constant 0 : i32
    %dma_wait3A_75 = tpu.memref_slice %arg10[%dma_wait3A_71, %dma_wait3A_74] : memref<4x128xi32, #tpu.memory_space<vmem>> -> memref<1x128xi32, #tpu.memory_space<vmem>>
    %dma_wait3A_76 = tpu.memref_squeeze %dma_wait3A_75 : memref<1x128xi32, #tpu.memory_space<vmem>> -> memref<128xi32, #tpu.memory_space<vmem>>
    %dma_wait3A_77 = arith.constant 0 : i32
    %dma_wait3A_78 = tpu.memref_slice %arg6[%dma_wait3A_77] : memref<100000xf32, #tpu.memory_space<hbm>> -> memref<100000xf32, #tpu.memory_space<hbm>>
    tpu.wait_indirect_dma semaphore(%arg25 : memref<!tpu.dma_semaphore, #tpu.memory_space<semaphore_mem>>) src(%dma_wait3A_78 : memref<100000xf32, #tpu.memory_space<hbm>>) dst(%dma_wait3A_73 : memref<128xf32, #tpu.memory_space<vmem>>)
    %dma_wait3A_79 = arith.constant 2 : i32
    %dma_wait3A_80 = arith.constant 256 : i32
    %dma_wait3A_81 = tpu.memref_slice %arg12[%dma_wait3A_80] : memref<512xf32, #tpu.memory_space<vmem>> -> memref<128xf32, #tpu.memory_space<vmem>>
    %dma_wait3A_82 = arith.constant 0 : i32
    %dma_wait3A_83 = tpu.memref_slice %arg10[%dma_wait3A_79, %dma_wait3A_82] : memref<4x128xi32, #tpu.memory_space<vmem>> -> memref<1x128xi32, #tpu.memory_space<vmem>>
    %dma_wait3A_84 = tpu.memref_squeeze %dma_wait3A_83 : memref<1x128xi32, #tpu.memory_space<vmem>> -> memref<128xi32, #tpu.memory_space<vmem>>
    %dma_wait3A_85 = arith.constant 0 : i32
    %dma_wait3A_86 = tpu.memref_slice %arg6[%dma_wait3A_85] : memref<100000xf32, #tpu.memory_space<hbm>> -> memref<100000xf32, #tpu.memory_space<hbm>>
    tpu.wait_indirect_dma semaphore(%arg25 : memref<!tpu.dma_semaphore, #tpu.memory_space<semaphore_mem>>) src(%dma_wait3A_86 : memref<100000xf32, #tpu.memory_space<hbm>>) dst(%dma_wait3A_81 : memref<128xf32, #tpu.memory_space<vmem>>)
    %dma_wait3A_87 = arith.constant 3 : i32
    %dma_wait3A_88 = arith.constant 384 : i32
    %dma_wait3A_89 = tpu.memref_slice %arg12[%dma_wait3A_88] : memref<512xf32, #tpu.memory_space<vmem>> -> memref<128xf32, #tpu.memory_space<vmem>>
    %dma_wait3A_90 = arith.constant 0 : i32
    %dma_wait3A_91 = tpu.memref_slice %arg10[%dma_wait3A_87, %dma_wait3A_90] : memref<4x128xi32, #tpu.memory_space<vmem>> -> memref<1x128xi32, #tpu.memory_space<vmem>>
    %dma_wait3A_92 = tpu.memref_squeeze %dma_wait3A_91 : memref<1x128xi32, #tpu.memory_space<vmem>> -> memref<128xi32, #tpu.memory_space<vmem>>
    %dma_wait3A_93 = arith.constant 0 : i32
    %dma_wait3A_94 = tpu.memref_slice %arg6[%dma_wait3A_93] : memref<100000xf32, #tpu.memory_space<hbm>> -> memref<100000xf32, #tpu.memory_space<hbm>>
    tpu.wait_indirect_dma semaphore(%arg25 : memref<!tpu.dma_semaphore, #tpu.memory_space<semaphore_mem>>) src(%dma_wait3A_94 : memref<100000xf32, #tpu.memory_space<hbm>>) dst(%dma_wait3A_89 : memref<128xf32, #tpu.memory_space<vmem>>)
    %dma_wait3A_95 = tpu.memref_slice %arg3[%mul3A_2] : memref<16384xf32, #tpu.memory_space<hbm>> -> memref<512xf32, #tpu.memory_space<hbm>>
    %dma_wait3A_96 = tpu.memref_slice %arg3[%mul3A_2] : memref<16384xf32, #tpu.memory_space<hbm>> -> memref<512xf32, #tpu.memory_space<hbm>>
    tpu.wait_dma2 semaphore(%arg25 : memref<!tpu.dma_semaphore, #tpu.memory_space<semaphore_mem>>) src(%dma_wait3A_96 : memref<512xf32, #tpu.memory_space<hbm>>) dst(%arg11 : memref<512xf32, #tpu.memory_space<vmem>>)
    %get3A = arith.constant 0 : index
    %get3A_97 = tpu.vector_load %arg12[%get3A] {strides = array<i32>} : memref<512xf32, #tpu.memory_space<vmem>>, vector<16xf32>,
    %get3A_98 = vector.shape_cast %get3A_97 : vector<16xf32> to vector<16xf32>
    %get3A_99 = arith.constant 0 : index
    %get3A_100 = tpu.vector_load %arg11[%get3A_99] {strides = array<i32>} : memref<512xf32, #tpu.memory_space<vmem>>, vector<16xf32>,
    %get3A_101 = vector.shape_cast %get3A_100 : vector<16xf32> to vector<16xf32>
    %min3A = arith.minimumf %get3A_98, %get3A_101 : vector<16xf32>
    %swap3A = arith.constant 0 : index
    %swap3A_102 = tpu.vector_load %arg12[%swap3A] {strides = array<i32>} : memref<512xf32, #tpu.memory_space<vmem>>, vector<16xf32>,
    %swap3A_103 = vector.shape_cast %swap3A_102 : vector<16xf32> to vector<16xf32>
    %swap3A_104 = vector.shape_cast %min3A : vector<16xf32> to vector<16xf32>
    tpu.vector_store %arg12[%swap3A], %swap3A_104 {strides = array<i32>} : memref<512xf32, #tpu.memory_space<vmem>>, vector<16xf32>,
    %get3A_105 = arith.constant 16 : index
    %get3A_106 = tpu.vector_load %arg12[%get3A_105] {strides = array<i32>} : memref<512xf32, #tpu.memory_space<vmem>>, vector<16xf32>,
    %get3A_107 = vector.shape_cast %get3A_106 : vector<16xf32> to vector<16xf32>
    %get3A_108 = arith.constant 16 : index
    %get3A_109 = tpu.vector_load %arg11[%get3A_108] {strides = array<i32>} : memref<512xf32, #tpu.memory_space<vmem>>, vector<16xf32>,
    %get3A_110 = vector.shape_cast %get3A_109 : vector<16xf32> to vector<16xf32>
    %min3A_111 = arith.minimumf %get3A_107, %get3A_110 : vector<16xf32>
    %swap3A_112 = arith.constant 16 : index
    %swap3A_113 = tpu.vector_load %arg12[%swap3A_112] {strides = array<i32>} : memref<512xf32, #tpu.memory_space<vmem>>, vector<16xf32>,
    %swap3A_114 = vector.shape_cast %swap3A_113 : vector<16xf32> to vector<16xf32>
    %swap3A_115 = vector.shape_cast %min3A_111 : vector<16xf32> to vector<16xf32>
    tpu.vector_store %arg12[%swap3A_112], %swap3A_115 {strides = array<i32>} : memref<512xf32, #tpu.memory_space<vmem>>, vector<16xf32>,
    %get3A_116 = arith.constant 32 : index
    %get3A_117 = tpu.vector_load %arg12[%get3A_116] {strides = array<i32>} : memref<512xf32, #tpu.memory_space<vmem>>, vector<16xf32>,
    %get3A_118 = vector.shape_cast %get3A_117 : vector<16xf32> to vector<16xf32>
    %get3A_119 = arith.constant 32 : index
    %get3A_120 = tpu.vector_load %arg11[%get3A_119] {strides = array<i32>} : memref<512xf32, #tpu.memory_space<vmem>>, vector<16xf32>,
    %get3A_121 = vector.shape_cast %get3A_120 : vector<16xf32> to vector<16xf32>
    %min3A_122 = arith.minimumf %get3A_118, %get3A_121 : vector<16xf32>
    %swap3A_123 = arith.constant 32 : index
    %swap3A_124 = tpu.vector_load %arg12[%swap3A_123] {strides = array<i32>} : memref<512xf32, #tpu.memory_space<vmem>>, vector<16xf32>,
    %swap3A_125 = vector.shape_cast %swap3A_124 : vector<16xf32> to vector<16xf32>
    %swap3A_126 = vector.shape_cast %min3A_122 : vector<16xf32> to vector<16xf32>
    tpu.vector_store %arg12[%swap3A_123], %swap3A_126 {strides = array<i32>} : memref<512xf32, #tpu.memory_space<vmem>>, vector<16xf32>,
    %get3A_127 = arith.constant 48 : index
    %get3A_128 = tpu.vector_load %arg12[%get3A_127] {strides = array<i32>} : memref<512xf32, #tpu.memory_space<vmem>>, vector<16xf32>,
    %get3A_129 = vector.shape_cast %get3A_128 : vector<16xf32> to vector<16xf32>
    %get3A_130 = arith.constant 48 : index
    %get3A_131 = tpu.vector_load %arg11[%get3A_130] {strides = array<i32>} : memref<512xf32, #tpu.memory_space<vmem>>, vector<16xf32>,
    %get3A_132 = vector.shape_cast %get3A_131 : vector<16xf32> to vector<16xf32>
    %min3A_133 = arith.minimumf %get3A_129, %get3A_132 : vector<16xf32>
    %swap3A_134 = arith.constant 48 : index
    %swap3A_135 = tpu.vector_load %arg12[%swap3A_134] {strides = array<i32>} : memref<512xf32, #tpu.memory_space<vmem>>, vector<16xf32>,
    %swap3A_136 = vector.shape_cast %swap3A_135 : vector<16xf32> to vector<16xf32>
    %swap3A_137 = vector.shape_cast %min3A_133 : vector<16xf32> to vector<16xf32>
    tpu.vector_store %arg12[%swap3A_134], %swap3A_137 {strides = array<i32>} : memref<512xf32, #tpu.memory_space<vmem>>, vector<16xf32>,
    %get3A_138 = arith.constant 64 : index
    %get3A_139 = tpu.vector_load %arg12[%get3A_138] {strides = array<i32>} : memref<512xf32, #tpu.memory_space<vmem>>, vector<16xf32>,
    %get3A_140 = vector.shape_cast %get3A_139 : vector<16xf32> to vector<16xf32>
    %get3A_141 = arith.constant 64 : index
    %get3A_142 = tpu.vector_load %arg11[%get3A_141] {strides = array<i32>} : memref<512xf32, #tpu.memory_space<vmem>>, vector<16xf32>,
    %get3A_143 = vector.shape_cast %get3A_142 : vector<16xf32> to vector<16xf32>
    %min3A_144 = arith.minimumf %get3A_140, %get3A_143 : vector<16xf32>
    %swap3A_145 = arith.constant 64 : index
    %swap3A_146 = tpu.vector_load %arg12[%swap3A_145] {strides = array<i32>} : memref<512xf32, #tpu.memory_space<vmem>>, vector<16xf32>,
    %swap3A_147 = vector.shape_cast %swap3A_146 : vector<16xf32> to vector<16xf32>
    %swap3A_148 = vector.shape_cast %min3A_144 : vector<16xf32> to vector<16xf32>
    tpu.vector_store %arg12[%swap3A_145], %swap3A_148 {strides = array<i32>} : memref<512xf32, #tpu.memory_space<vmem>>, vector<16xf32>,
    %get3A_149 = arith.constant 80 : index
    %get3A_150 = tpu.vector_load %arg12[%get3A_149] {strides = array<i32>} : memref<512xf32, #tpu.memory_space<vmem>>, vector<16xf32>,
    %get3A_151 = vector.shape_cast %get3A_150 : vector<16xf32> to vector<16xf32>
    %get3A_152 = arith.constant 80 : index
    %get3A_153 = tpu.vector_load %arg11[%get3A_152] {strides = array<i32>} : memref<512xf32, #tpu.memory_space<vmem>>, vector<16xf32>,
    %get3A_154 = vector.shape_cast %get3A_153 : vector<16xf32> to vector<16xf32>
    %min3A_155 = arith.minimumf %get3A_151, %get3A_154 : vector<16xf32>
    %swap3A_156 = arith.constant 80 : index
    %swap3A_157 = tpu.vector_load %arg12[%swap3A_156] {strides = array<i32>} : memref<512xf32, #tpu.memory_space<vmem>>, vector<16xf32>,
    %swap3A_158 = vector.shape_cast %swap3A_157 : vector<16xf32> to vector<16xf32>
    %swap3A_159 = vector.shape_cast %min3A_155 : vector<16xf32> to vector<16xf32>
    tpu.vector_store %arg12[%swap3A_156], %swap3A_159 {strides = array<i32>} : memref<512xf32, #tpu.memory_space<vmem>>, vector<16xf32>,
    %get3A_160 = arith.constant 96 : index
    %get3A_161 = tpu.vector_load %arg12[%get3A_160] {strides = array<i32>} : memref<512xf32, #tpu.memory_space<vmem>>, vector<16xf32>,
    %get3A_162 = vector.shape_cast %get3A_161 : vector<16xf32> to vector<16xf32>
    %get3A_163 = arith.constant 96 : index
    %get3A_164 = tpu.vector_load %arg11[%get3A_163] {strides = array<i32>} : memref<512xf32, #tpu.memory_space<vmem>>, vector<16xf32>,
    %get3A_165 = vector.shape_cast %get3A_164 : vector<16xf32> to vector<16xf32>
    %min3A_166 = arith.minimumf %get3A_162, %get3A_165 : vector<16xf32>
    %swap3A_167 = arith.constant 96 : index
    %swap3A_168 = tpu.vector_load %arg12[%swap3A_167] {strides = array<i32>} : memref<512xf32, #tpu.memory_space<vmem>>, vector<16xf32>,
    %swap3A_169 = vector.shape_cast %swap3A_168 : vector<16xf32> to vector<16xf32>
    %swap3A_170 = vector.shape_cast %min3A_166 : vector<16xf32> to vector<16xf32>
    tpu.vector_store %arg12[%swap3A_167], %swap3A_170 {strides = array<i32>} : memref<512xf32, #tpu.memory_space<vmem>>, vector<16xf32>,
    %get3A_171 = arith.constant 112 : index
    %get3A_172 = tpu.vector_load %arg12[%get3A_171] {strides = array<i32>} : memref<512xf32, #tpu.memory_space<vmem>>, vector<16xf32>,
    %get3A_173 = vector.shape_cast %get3A_172 : vector<16xf32> to vector<16xf32>
    %get3A_174 = arith.constant 112 : index
    %get3A_175 = tpu.vector_load %arg11[%get3A_174] {strides = array<i32>} : memref<512xf32, #tpu.memory_space<vmem>>, vector<16xf32>,
    %get3A_176 = vector.shape_cast %get3A_175 : vector<16xf32> to vector<16xf32>
    %min3A_177 = arith.minimumf %get3A_173, %get3A_176 : vector<16xf32>
    %swap3A_178 = arith.constant 112 : index
    %swap3A_179 = tpu.vector_load %arg12[%swap3A_178] {strides = array<i32>} : memref<512xf32, #tpu.memory_space<vmem>>, vector<16xf32>,
    %swap3A_180 = vector.shape_cast %swap3A_179 : vector<16xf32> to vector<16xf32>
    %swap3A_181 = vector.shape_cast %min3A_177 : vector<16xf32> to vector<16xf32>
    tpu.vector_store %arg12[%swap3A_178], %swap3A_181 {strides = array<i32>} : memref<512xf32, #tpu.memory_space<vmem>>, vector<16xf32>,
    %get3A_182 = arith.constant 128 : index
    %get3A_183 = tpu.vector_load %arg12[%get3A_182] {strides = array<i32>} : memref<512xf32, #tpu.memory_space<vmem>>, vector<16xf32>,
    %get3A_184 = vector.shape_cast %get3A_183 : vector<16xf32> to vector<16xf32>
    %get3A_185 = arith.constant 128 : index
    %get3A_186 = tpu.vector_load %arg11[%get3A_185] {strides = array<i32>} : memref<512xf32, #tpu.memory_space<vmem>>, vector<16xf32>,
    %get3A_187 = vector.shape_cast %get3A_186 : vector<16xf32> to vector<16xf32>
    %min3A_188 = arith.minimumf %get3A_184, %get3A_187 : vector<16xf32>
    %swap3A_189 = arith.constant 128 : index
    %swap3A_190 = tpu.vector_load %arg12[%swap3A_189] {strides = array<i32>} : memref<512xf32, #tpu.memory_space<vmem>>, vector<16xf32>,
    %swap3A_191 = vector.shape_cast %swap3A_190 : vector<16xf32> to vector<16xf32>
    %swap3A_192 = vector.shape_cast %min3A_188 : vector<16xf32> to vector<16xf32>
    tpu.vector_store %arg12[%swap3A_189], %swap3A_192 {strides = array<i32>} : memref<512xf32, #tpu.memory_space<vmem>>, vector<16xf32>,
    %get3A_193 = arith.constant 144 : index
    %get3A_194 = tpu.vector_load %arg12[%get3A_193] {strides = array<i32>} : memref<512xf32, #tpu.memory_space<vmem>>, vector<16xf32>,
    %get3A_195 = vector.shape_cast %get3A_194 : vector<16xf32> to vector<16xf32>
    %get3A_196 = arith.constant 144 : index
    %get3A_197 = tpu.vector_load %arg11[%get3A_196] {strides = array<i32>} : memref<512xf32, #tpu.memory_space<vmem>>, vector<16xf32>,
    %get3A_198 = vector.shape_cast %get3A_197 : vector<16xf32> to vector<16xf32>
    %min3A_199 = arith.minimumf %get3A_195, %get3A_198 : vector<16xf32>
    %swap3A_200 = arith.constant 144 : index
    %swap3A_201 = tpu.vector_load %arg12[%swap3A_200] {strides = array<i32>} : memref<512xf32, #tpu.memory_space<vmem>>, vector<16xf32>,
    %swap3A_202 = vector.shape_cast %swap3A_201 : vector<16xf32> to vector<16xf32>
    %swap3A_203 = vector.shape_cast %min3A_199 : vector<16xf32> to vector<16xf32>
    tpu.vector_store %arg12[%swap3A_200], %swap3A_203 {strides = array<i32>} : memref<512xf32, #tpu.memory_space<vmem>>, vector<16xf32>,
    %get3A_204 = arith.constant 160 : index
    %get3A_205 = tpu.vector_load %arg12[%get3A_204] {strides = array<i32>} : memref<512xf32, #tpu.memory_space<vmem>>, vector<16xf32>,
    %get3A_206 = vector.shape_cast %get3A_205 : vector<16xf32> to vector<16xf32>
    %get3A_207 = arith.constant 160 : index
    %get3A_208 = tpu.vector_load %arg11[%get3A_207] {strides = array<i32>} : memref<512xf32, #tpu.memory_space<vmem>>, vector<16xf32>,
    %get3A_209 = vector.shape_cast %get3A_208 : vector<16xf32> to vector<16xf32>
    %min3A_210 = arith.minimumf %get3A_206, %get3A_209 : vector<16xf32>
    %swap3A_211 = arith.constant 160 : index
    %swap3A_212 = tpu.vector_load %arg12[%swap3A_211] {strides = array<i32>} : memref<512xf32, #tpu.memory_space<vmem>>, vector<16xf32>,
    %swap3A_213 = vector.shape_cast %swap3A_212 : vector<16xf32> to vector<16xf32>
    %swap3A_214 = vector.shape_cast %min3A_210 : vector<16xf32> to vector<16xf32>
    tpu.vector_store %arg12[%swap3A_211], %swap3A_214 {strides = array<i32>} : memref<512xf32, #tpu.memory_space<vmem>>, vector<16xf32>,
    %get3A_215 = arith.constant 176 : index
    %get3A_216 = tpu.vector_load %arg12[%get3A_215] {strides = array<i32>} : memref<512xf32, #tpu.memory_space<vmem>>, vector<16xf32>,
    %get3A_217 = vector.shape_cast %get3A_216 : vector<16xf32> to vector<16xf32>
    %get3A_218 = arith.constant 176 : index
    %get3A_219 = tpu.vector_load %arg11[%get3A_218] {strides = array<i32>} : memref<512xf32, #tpu.memory_space<vmem>>, vector<16xf32>,
    %get3A_220 = vector.shape_cast %get3A_219 : vector<16xf32> to vector<16xf32>
    %min3A_221 = arith.minimumf %get3A_217, %get3A_220 : vector<16xf32>
    %swap3A_222 = arith.constant 176 : index
    %swap3A_223 = tpu.vector_load %arg12[%swap3A_222] {strides = array<i32>} : memref<512xf32, #tpu.memory_space<vmem>>, vector<16xf32>,
    %swap3A_224 = vector.shape_cast %swap3A_223 : vector<16xf32> to vector<16xf32>
    %swap3A_225 = vector.shape_cast %min3A_221 : vector<16xf32> to vector<16xf32>
    tpu.vector_store %arg12[%swap3A_222], %swap3A_225 {strides = array<i32>} : memref<512xf32, #tpu.memory_space<vmem>>, vector<16xf32>,
    %get3A_226 = arith.constant 192 : index
    %get3A_227 = tpu.vector_load %arg12[%get3A_226] {strides = array<i32>} : memref<512xf32, #tpu.memory_space<vmem>>, vector<16xf32>,
    %get3A_228 = vector.shape_cast %get3A_227 : vector<16xf32> to vector<16xf32>
    %get3A_229 = arith.constant 192 : index
    %get3A_230 = tpu.vector_load %arg11[%get3A_229] {strides = array<i32>} : memref<512xf32, #tpu.memory_space<vmem>>, vector<16xf32>,
    %get3A_231 = vector.shape_cast %get3A_230 : vector<16xf32> to vector<16xf32>
    %min3A_232 = arith.minimumf %get3A_228, %get3A_231 : vector<16xf32>
    %swap3A_233 = arith.constant 192 : index
    %swap3A_234 = tpu.vector_load %arg12[%swap3A_233] {strides = array<i32>} : memref<512xf32, #tpu.memory_space<vmem>>, vector<16xf32>,
    %swap3A_235 = vector.shape_cast %swap3A_234 : vector<16xf32> to vector<16xf32>
    %swap3A_236 = vector.shape_cast %min3A_232 : vector<16xf32> to vector<16xf32>
    tpu.vector_store %arg12[%swap3A_233], %swap3A_236 {strides = array<i32>} : memref<512xf32, #tpu.memory_space<vmem>>, vector<16xf32>,
    %get3A_237 = arith.constant 208 : index
    %get3A_238 = tpu.vector_load %arg12[%get3A_237] {strides = array<i32>} : memref<512xf32, #tpu.memory_space<vmem>>, vector<16xf32>,
    %get3A_239 = vector.shape_cast %get3A_238 : vector<16xf32> to vector<16xf32>
    %get3A_240 = arith.constant 208 : index
    %get3A_241 = tpu.vector_load %arg11[%get3A_240] {strides = array<i32>} : memref<512xf32, #tpu.memory_space<vmem>>, vector<16xf32>,
    %get3A_242 = vector.shape_cast %get3A_241 : vector<16xf32> to vector<16xf32>
    %min3A_243 = arith.minimumf %get3A_239, %get3A_242 : vector<16xf32>
    %swap3A_244 = arith.constant 208 : index
    %swap3A_245 = tpu.vector_load %arg12[%swap3A_244] {strides = array<i32>} : memref<512xf32, #tpu.memory_space<vmem>>, vector<16xf32>,
    %swap3A_246 = vector.shape_cast %swap3A_245 : vector<16xf32> to vector<16xf32>
    %swap3A_247 = vector.shape_cast %min3A_243 : vector<16xf32> to vector<16xf32>
    tpu.vector_store %arg12[%swap3A_244], %swap3A_247 {strides = array<i32>} : memref<512xf32, #tpu.memory_space<vmem>>, vector<16xf32>,
    %get3A_248 = arith.constant 224 : index
    %get3A_249 = tpu.vector_load %arg12[%get3A_248] {strides = array<i32>} : memref<512xf32, #tpu.memory_space<vmem>>, vector<16xf32>,
    %get3A_250 = vector.shape_cast %get3A_249 : vector<16xf32> to vector<16xf32>
    %get3A_251 = arith.constant 224 : index
    %get3A_252 = tpu.vector_load %arg11[%get3A_251] {strides = array<i32>} : memref<512xf32, #tpu.memory_space<vmem>>, vector<16xf32>,
    %get3A_253 = vector.shape_cast %get3A_252 : vector<16xf32> to vector<16xf32>
    %min3A_254 = arith.minimumf %get3A_250, %get3A_253 : vector<16xf32>
    %swap3A_255 = arith.constant 224 : index
    %swap3A_256 = tpu.vector_load %arg12[%swap3A_255] {strides = array<i32>} : memref<512xf32, #tpu.memory_space<vmem>>, vector<16xf32>,
    %swap3A_257 = vector.shape_cast %swap3A_256 : vector<16xf32> to vector<16xf32>
    %swap3A_258 = vector.shape_cast %min3A_254 : vector<16xf32> to vector<16xf32>
    tpu.vector_store %arg12[%swap3A_255], %swap3A_258 {strides = array<i32>} : memref<512xf32, #tpu.memory_space<vmem>>, vector<16xf32>,
    %get3A_259 = arith.constant 240 : index
    %get3A_260 = tpu.vector_load %arg12[%get3A_259] {strides = array<i32>} : memref<512xf32, #tpu.memory_space<vmem>>, vector<16xf32>,
    %get3A_261 = vector.shape_cast %get3A_260 : vector<16xf32> to vector<16xf32>
    %get3A_262 = arith.constant 240 : index
    %get3A_263 = tpu.vector_load %arg11[%get3A_262] {strides = array<i32>} : memref<512xf32, #tpu.memory_space<vmem>>, vector<16xf32>,
    %get3A_264 = vector.shape_cast %get3A_263 : vector<16xf32> to vector<16xf32>
    %min3A_265 = arith.minimumf %get3A_261, %get3A_264 : vector<16xf32>
    %swap3A_266 = arith.constant 240 : index
    %swap3A_267 = tpu.vector_load %arg12[%swap3A_266] {strides = array<i32>} : memref<512xf32, #tpu.memory_space<vmem>>, vector<16xf32>,
    %swap3A_268 = vector.shape_cast %swap3A_267 : vector<16xf32> to vector<16xf32>
    %swap3A_269 = vector.shape_cast %min3A_265 : vector<16xf32> to vector<16xf32>
    tpu.vector_store %arg12[%swap3A_266], %swap3A_269 {strides = array<i32>} : memref<512xf32, #tpu.memory_space<vmem>>, vector<16xf32>,
    %get3A_270 = arith.constant 256 : index
    %get3A_271 = tpu.vector_load %arg12[%get3A_270] {strides = array<i32>} : memref<512xf32, #tpu.memory_space<vmem>>, vector<16xf32>,
    %get3A_272 = vector.shape_cast %get3A_271 : vector<16xf32> to vector<16xf32>
    %get3A_273 = arith.constant 256 : index
    %get3A_274 = tpu.vector_load %arg11[%get3A_273] {strides = array<i32>} : memref<512xf32, #tpu.memory_space<vmem>>, vector<16xf32>,
    %get3A_275 = vector.shape_cast %get3A_274 : vector<16xf32> to vector<16xf32>
    %min3A_276 = arith.minimumf %get3A_272, %get3A_275 : vector<16xf32>
    %swap3A_277 = arith.constant 256 : index
    %swap3A_278 = tpu.vector_load %arg12[%swap3A_277] {strides = array<i32>} : memref<512xf32, #tpu.memory_space<vmem>>, vector<16xf32>,
    %swap3A_279 = vector.shape_cast %swap3A_278 : vector<16xf32> to vector<16xf32>
    %swap3A_280 = vector.shape_cast %min3A_276 : vector<16xf32> to vector<16xf32>
    tpu.vector_store %arg12[%swap3A_277], %swap3A_280 {strides = array<i32>} : memref<512xf32, #tpu.memory_space<vmem>>, vector<16xf32>,
    %get3A_281 = arith.constant 272 : index
    %get3A_282 = tpu.vector_load %arg12[%get3A_281] {strides = array<i32>} : memref<512xf32, #tpu.memory_space<vmem>>, vector<16xf32>,
    %get3A_283 = vector.shape_cast %get3A_282 : vector<16xf32> to vector<16xf32>
    %get3A_284 = arith.constant 272 : index
    %get3A_285 = tpu.vector_load %arg11[%get3A_284] {strides = array<i32>} : memref<512xf32, #tpu.memory_space<vmem>>, vector<16xf32>,
    %get3A_286 = vector.shape_cast %get3A_285 : vector<16xf32> to vector<16xf32>
    %min3A_287 = arith.minimumf %get3A_283, %get3A_286 : vector<16xf32>
    %swap3A_288 = arith.constant 272 : index
    %swap3A_289 = tpu.vector_load %arg12[%swap3A_288] {strides = array<i32>} : memref<512xf32, #tpu.memory_space<vmem>>, vector<16xf32>,
    %swap3A_290 = vector.shape_cast %swap3A_289 : vector<16xf32> to vector<16xf32>
    %swap3A_291 = vector.shape_cast %min3A_287 : vector<16xf32> to vector<16xf32>
    tpu.vector_store %arg12[%swap3A_288], %swap3A_291 {strides = array<i32>} : memref<512xf32, #tpu.memory_space<vmem>>, vector<16xf32>,
    %get3A_292 = arith.constant 288 : index
    %get3A_293 = tpu.vector_load %arg12[%get3A_292] {strides = array<i32>} : memref<512xf32, #tpu.memory_space<vmem>>, vector<16xf32>,
    %get3A_294 = vector.shape_cast %get3A_293 : vector<16xf32> to vector<16xf32>
    %get3A_295 = arith.constant 288 : index
    %get3A_296 = tpu.vector_load %arg11[%get3A_295] {strides = array<i32>} : memref<512xf32, #tpu.memory_space<vmem>>, vector<16xf32>,
    %get3A_297 = vector.shape_cast %get3A_296 : vector<16xf32> to vector<16xf32>
    %min3A_298 = arith.minimumf %get3A_294, %get3A_297 : vector<16xf32>
    %swap3A_299 = arith.constant 288 : index
    %swap3A_300 = tpu.vector_load %arg12[%swap3A_299] {strides = array<i32>} : memref<512xf32, #tpu.memory_space<vmem>>, vector<16xf32>,
    %swap3A_301 = vector.shape_cast %swap3A_300 : vector<16xf32> to vector<16xf32>
    %swap3A_302 = vector.shape_cast %min3A_298 : vector<16xf32> to vector<16xf32>
    tpu.vector_store %arg12[%swap3A_299], %swap3A_302 {strides = array<i32>} : memref<512xf32, #tpu.memory_space<vmem>>, vector<16xf32>,
    %get3A_303 = arith.constant 304 : index
    %get3A_304 = tpu.vector_load %arg12[%get3A_303] {strides = array<i32>} : memref<512xf32, #tpu.memory_space<vmem>>, vector<16xf32>,
    %get3A_305 = vector.shape_cast %get3A_304 : vector<16xf32> to vector<16xf32>
    %get3A_306 = arith.constant 304 : index
    %get3A_307 = tpu.vector_load %arg11[%get3A_306] {strides = array<i32>} : memref<512xf32, #tpu.memory_space<vmem>>, vector<16xf32>,
    %get3A_308 = vector.shape_cast %get3A_307 : vector<16xf32> to vector<16xf32>
    %min3A_309 = arith.minimumf %get3A_305, %get3A_308 : vector<16xf32>
    %swap3A_310 = arith.constant 304 : index
    %swap3A_311 = tpu.vector_load %arg12[%swap3A_310] {strides = array<i32>} : memref<512xf32, #tpu.memory_space<vmem>>, vector<16xf32>,
    %swap3A_312 = vector.shape_cast %swap3A_311 : vector<16xf32> to vector<16xf32>
    %swap3A_313 = vector.shape_cast %min3A_309 : vector<16xf32> to vector<16xf32>
    tpu.vector_store %arg12[%swap3A_310], %swap3A_313 {strides = array<i32>} : memref<512xf32, #tpu.memory_space<vmem>>, vector<16xf32>,
    %get3A_314 = arith.constant 320 : index
    %get3A_315 = tpu.vector_load %arg12[%get3A_314] {strides = array<i32>} : memref<512xf32, #tpu.memory_space<vmem>>, vector<16xf32>,
    %get3A_316 = vector.shape_cast %get3A_315 : vector<16xf32> to vector<16xf32>
    %get3A_317 = arith.constant 320 : index
    %get3A_318 = tpu.vector_load %arg11[%get3A_317] {strides = array<i32>} : memref<512xf32, #tpu.memory_space<vmem>>, vector<16xf32>,
    %get3A_319 = vector.shape_cast %get3A_318 : vector<16xf32> to vector<16xf32>
    %min3A_320 = arith.minimumf %get3A_316, %get3A_319 : vector<16xf32>
    %swap3A_321 = arith.constant 320 : index
    %swap3A_322 = tpu.vector_load %arg12[%swap3A_321] {strides = array<i32>} : memref<512xf32, #tpu.memory_space<vmem>>, vector<16xf32>,
    %swap3A_323 = vector.shape_cast %swap3A_322 : vector<16xf32> to vector<16xf32>
    %swap3A_324 = vector.shape_cast %min3A_320 : vector<16xf32> to vector<16xf32>
    tpu.vector_store %arg12[%swap3A_321], %swap3A_324 {strides = array<i32>} : memref<512xf32, #tpu.memory_space<vmem>>, vector<16xf32>,
    %get3A_325 = arith.constant 336 : index
    %get3A_326 = tpu.vector_load %arg12[%get3A_325] {strides = array<i32>} : memref<512xf32, #tpu.memory_space<vmem>>, vector<16xf32>,
    %get3A_327 = vector.shape_cast %get3A_326 : vector<16xf32> to vector<16xf32>
    %get3A_328 = arith.constant 336 : index
    %get3A_329 = tpu.vector_load %arg11[%get3A_328] {strides = array<i32>} : memref<512xf32, #tpu.memory_space<vmem>>, vector<16xf32>,
    %get3A_330 = vector.shape_cast %get3A_329 : vector<16xf32> to vector<16xf32>
    %min3A_331 = arith.minimumf %get3A_327, %get3A_330 : vector<16xf32>
    %swap3A_332 = arith.constant 336 : index
    %swap3A_333 = tpu.vector_load %arg12[%swap3A_332] {strides = array<i32>} : memref<512xf32, #tpu.memory_space<vmem>>, vector<16xf32>,
    %swap3A_334 = vector.shape_cast %swap3A_333 : vector<16xf32> to vector<16xf32>
    %swap3A_335 = vector.shape_cast %min3A_331 : vector<16xf32> to vector<16xf32>
    tpu.vector_store %arg12[%swap3A_332], %swap3A_335 {strides = array<i32>} : memref<512xf32, #tpu.memory_space<vmem>>, vector<16xf32>,
    %get3A_336 = arith.constant 352 : index
    %get3A_337 = tpu.vector_load %arg12[%get3A_336] {strides = array<i32>} : memref<512xf32, #tpu.memory_space<vmem>>, vector<16xf32>,
    %get3A_338 = vector.shape_cast %get3A_337 : vector<16xf32> to vector<16xf32>
    %get3A_339 = arith.constant 352 : index
    %get3A_340 = tpu.vector_load %arg11[%get3A_339] {strides = array<i32>} : memref<512xf32, #tpu.memory_space<vmem>>, vector<16xf32>,
    %get3A_341 = vector.shape_cast %get3A_340 : vector<16xf32> to vector<16xf32>
    %min3A_342 = arith.minimumf %get3A_338, %get3A_341 : vector<16xf32>
    %swap3A_343 = arith.constant 352 : index
    %swap3A_344 = tpu.vector_load %arg12[%swap3A_343] {strides = array<i32>} : memref<512xf32, #tpu.memory_space<vmem>>, vector<16xf32>,
    %swap3A_345 = vector.shape_cast %swap3A_344 : vector<16xf32> to vector<16xf32>
    %swap3A_346 = vector.shape_cast %min3A_342 : vector<16xf32> to vector<16xf32>
    tpu.vector_store %arg12[%swap3A_343], %swap3A_346 {strides = array<i32>} : memref<512xf32, #tpu.memory_space<vmem>>, vector<16xf32>,
    %get3A_347 = arith.constant 368 : index
    %get3A_348 = tpu.vector_load %arg12[%get3A_347] {strides = array<i32>} : memref<512xf32, #tpu.memory_space<vmem>>, vector<16xf32>,
    %get3A_349 = vector.shape_cast %get3A_348 : vector<16xf32> to vector<16xf32>
    %get3A_350 = arith.constant 368 : index
    %get3A_351 = tpu.vector_load %arg11[%get3A_350] {strides = array<i32>} : memref<512xf32, #tpu.memory_space<vmem>>, vector<16xf32>,
    %get3A_352 = vector.shape_cast %get3A_351 : vector<16xf32> to vector<16xf32>
    %min3A_353 = arith.minimumf %get3A_349, %get3A_352 : vector<16xf32>
    %swap3A_354 = arith.constant 368 : index
    %swap3A_355 = tpu.vector_load %arg12[%swap3A_354] {strides = array<i32>} : memref<512xf32, #tpu.memory_space<vmem>>, vector<16xf32>,
    %swap3A_356 = vector.shape_cast %swap3A_355 : vector<16xf32> to vector<16xf32>
    %swap3A_357 = vector.shape_cast %min3A_353 : vector<16xf32> to vector<16xf32>
    tpu.vector_store %arg12[%swap3A_354], %swap3A_357 {strides = array<i32>} : memref<512xf32, #tpu.memory_space<vmem>>, vector<16xf32>,
    %get3A_358 = arith.constant 384 : index
    %get3A_359 = tpu.vector_load %arg12[%get3A_358] {strides = array<i32>} : memref<512xf32, #tpu.memory_space<vmem>>, vector<16xf32>,
    %get3A_360 = vector.shape_cast %get3A_359 : vector<16xf32> to vector<16xf32>
    %get3A_361 = arith.constant 384 : index
    %get3A_362 = tpu.vector_load %arg11[%get3A_361] {strides = array<i32>} : memref<512xf32, #tpu.memory_space<vmem>>, vector<16xf32>,
    %get3A_363 = vector.shape_cast %get3A_362 : vector<16xf32> to vector<16xf32>
    %min3A_364 = arith.minimumf %get3A_360, %get3A_363 : vector<16xf32>
    %swap3A_365 = arith.constant 384 : index
    %swap3A_366 = tpu.vector_load %arg12[%swap3A_365] {strides = array<i32>} : memref<512xf32, #tpu.memory_space<vmem>>, vector<16xf32>,
    %swap3A_367 = vector.shape_cast %swap3A_366 : vector<16xf32> to vector<16xf32>
    %swap3A_368 = vector.shape_cast %min3A_364 : vector<16xf32> to vector<16xf32>
    tpu.vector_store %arg12[%swap3A_365], %swap3A_368 {strides = array<i32>} : memref<512xf32, #tpu.memory_space<vmem>>, vector<16xf32>,
    %get3A_369 = arith.constant 400 : index
    %get3A_370 = tpu.vector_load %arg12[%get3A_369] {strides = array<i32>} : memref<512xf32, #tpu.memory_space<vmem>>, vector<16xf32>,
    %get3A_371 = vector.shape_cast %get3A_370 : vector<16xf32> to vector<16xf32>
    %get3A_372 = arith.constant 400 : index
    %get3A_373 = tpu.vector_load %arg11[%get3A_372] {strides = array<i32>} : memref<512xf32, #tpu.memory_space<vmem>>, vector<16xf32>,
    %get3A_374 = vector.shape_cast %get3A_373 : vector<16xf32> to vector<16xf32>
    %min3A_375 = arith.minimumf %get3A_371, %get3A_374 : vector<16xf32>
    %swap3A_376 = arith.constant 400 : index
    %swap3A_377 = tpu.vector_load %arg12[%swap3A_376] {strides = array<i32>} : memref<512xf32, #tpu.memory_space<vmem>>, vector<16xf32>,
    %swap3A_378 = vector.shape_cast %swap3A_377 : vector<16xf32> to vector<16xf32>
    %swap3A_379 = vector.shape_cast %min3A_375 : vector<16xf32> to vector<16xf32>
    tpu.vector_store %arg12[%swap3A_376], %swap3A_379 {strides = array<i32>} : memref<512xf32, #tpu.memory_space<vmem>>, vector<16xf32>,
    %get3A_380 = arith.constant 416 : index
    %get3A_381 = tpu.vector_load %arg12[%get3A_380] {strides = array<i32>} : memref<512xf32, #tpu.memory_space<vmem>>, vector<16xf32>,
    %get3A_382 = vector.shape_cast %get3A_381 : vector<16xf32> to vector<16xf32>
    %get3A_383 = arith.constant 416 : index
    %get3A_384 = tpu.vector_load %arg11[%get3A_383] {strides = array<i32>} : memref<512xf32, #tpu.memory_space<vmem>>, vector<16xf32>,
    %get3A_385 = vector.shape_cast %get3A_384 : vector<16xf32> to vector<16xf32>
    %min3A_386 = arith.minimumf %get3A_382, %get3A_385 : vector<16xf32>
    %swap3A_387 = arith.constant 416 : index
    %swap3A_388 = tpu.vector_load %arg12[%swap3A_387] {strides = array<i32>} : memref<512xf32, #tpu.memory_space<vmem>>, vector<16xf32>,
    %swap3A_389 = vector.shape_cast %swap3A_388 : vector<16xf32> to vector<16xf32>
    %swap3A_390 = vector.shape_cast %min3A_386 : vector<16xf32> to vector<16xf32>
    tpu.vector_store %arg12[%swap3A_387], %swap3A_390 {strides = array<i32>} : memref<512xf32, #tpu.memory_space<vmem>>, vector<16xf32>,
    %get3A_391 = arith.constant 432 : index
    %get3A_392 = tpu.vector_load %arg12[%get3A_391] {strides = array<i32>} : memref<512xf32, #tpu.memory_space<vmem>>, vector<16xf32>,
    %get3A_393 = vector.shape_cast %get3A_392 : vector<16xf32> to vector<16xf32>
    %get3A_394 = arith.constant 432 : index
    %get3A_395 = tpu.vector_load %arg11[%get3A_394] {strides = array<i32>} : memref<512xf32, #tpu.memory_space<vmem>>, vector<16xf32>,
    %get3A_396 = vector.shape_cast %get3A_395 : vector<16xf32> to vector<16xf32>
    %min3A_397 = arith.minimumf %get3A_393, %get3A_396 : vector<16xf32>
    %swap3A_398 = arith.constant 432 : index
    %swap3A_399 = tpu.vector_load %arg12[%swap3A_398] {strides = array<i32>} : memref<512xf32, #tpu.memory_space<vmem>>, vector<16xf32>,
    %swap3A_400 = vector.shape_cast %swap3A_399 : vector<16xf32> to vector<16xf32>
    %swap3A_401 = vector.shape_cast %min3A_397 : vector<16xf32> to vector<16xf32>
    tpu.vector_store %arg12[%swap3A_398], %swap3A_401 {strides = array<i32>} : memref<512xf32, #tpu.memory_space<vmem>>, vector<16xf32>,
    %get3A_402 = arith.constant 448 : index
    %get3A_403 = tpu.vector_load %arg12[%get3A_402] {strides = array<i32>} : memref<512xf32, #tpu.memory_space<vmem>>, vector<16xf32>,
    %get3A_404 = vector.shape_cast %get3A_403 : vector<16xf32> to vector<16xf32>
    %get3A_405 = arith.constant 448 : index
    %get3A_406 = tpu.vector_load %arg11[%get3A_405] {strides = array<i32>} : memref<512xf32, #tpu.memory_space<vmem>>, vector<16xf32>,
    %get3A_407 = vector.shape_cast %get3A_406 : vector<16xf32> to vector<16xf32>
    %min3A_408 = arith.minimumf %get3A_404, %get3A_407 : vector<16xf32>
    %swap3A_409 = arith.constant 448 : index
    %swap3A_410 = tpu.vector_load %arg12[%swap3A_409] {strides = array<i32>} : memref<512xf32, #tpu.memory_space<vmem>>, vector<16xf32>,
    %swap3A_411 = vector.shape_cast %swap3A_410 : vector<16xf32> to vector<16xf32>
    %swap3A_412 = vector.shape_cast %min3A_408 : vector<16xf32> to vector<16xf32>
    tpu.vector_store %arg12[%swap3A_409], %swap3A_412 {strides = array<i32>} : memref<512xf32, #tpu.memory_space<vmem>>, vector<16xf32>,
    %get3A_413 = arith.constant 464 : index
    %get3A_414 = tpu.vector_load %arg12[%get3A_413] {strides = array<i32>} : memref<512xf32, #tpu.memory_space<vmem>>, vector<16xf32>,
    %get3A_415 = vector.shape_cast %get3A_414 : vector<16xf32> to vector<16xf32>
    %get3A_416 = arith.constant 464 : index
    %get3A_417 = tpu.vector_load %arg11[%get3A_416] {strides = array<i32>} : memref<512xf32, #tpu.memory_space<vmem>>, vector<16xf32>,
    %get3A_418 = vector.shape_cast %get3A_417 : vector<16xf32> to vector<16xf32>
    %min3A_419 = arith.minimumf %get3A_415, %get3A_418 : vector<16xf32>
    %swap3A_420 = arith.constant 464 : index
    %swap3A_421 = tpu.vector_load %arg12[%swap3A_420] {strides = array<i32>} : memref<512xf32, #tpu.memory_space<vmem>>, vector<16xf32>,
    %swap3A_422 = vector.shape_cast %swap3A_421 : vector<16xf32> to vector<16xf32>
    %swap3A_423 = vector.shape_cast %min3A_419 : vector<16xf32> to vector<16xf32>
    tpu.vector_store %arg12[%swap3A_420], %swap3A_423 {strides = array<i32>} : memref<512xf32, #tpu.memory_space<vmem>>, vector<16xf32>,
    %get3A_424 = arith.constant 480 : index
    %get3A_425 = tpu.vector_load %arg12[%get3A_424] {strides = array<i32>} : memref<512xf32, #tpu.memory_space<vmem>>, vector<16xf32>,
    %get3A_426 = vector.shape_cast %get3A_425 : vector<16xf32> to vector<16xf32>
    %get3A_427 = arith.constant 480 : index
    %get3A_428 = tpu.vector_load %arg11[%get3A_427] {strides = array<i32>} : memref<512xf32, #tpu.memory_space<vmem>>, vector<16xf32>,
    %get3A_429 = vector.shape_cast %get3A_428 : vector<16xf32> to vector<16xf32>
    %min3A_430 = arith.minimumf %get3A_426, %get3A_429 : vector<16xf32>
    %swap3A_431 = arith.constant 480 : index
    %swap3A_432 = tpu.vector_load %arg12[%swap3A_431] {strides = array<i32>} : memref<512xf32, #tpu.memory_space<vmem>>, vector<16xf32>,
    %swap3A_433 = vector.shape_cast %swap3A_432 : vector<16xf32> to vector<16xf32>
    %swap3A_434 = vector.shape_cast %min3A_430 : vector<16xf32> to vector<16xf32>
    tpu.vector_store %arg12[%swap3A_431], %swap3A_434 {strides = array<i32>} : memref<512xf32, #tpu.memory_space<vmem>>, vector<16xf32>,
    %get3A_435 = arith.constant 496 : index
    %get3A_436 = tpu.vector_load %arg12[%get3A_435] {strides = array<i32>} : memref<512xf32, #tpu.memory_space<vmem>>, vector<16xf32>,
    %get3A_437 = vector.shape_cast %get3A_436 : vector<16xf32> to vector<16xf32>
    %get3A_438 = arith.constant 496 : index
    %get3A_439 = tpu.vector_load %arg11[%get3A_438] {strides = array<i32>} : memref<512xf32, #tpu.memory_space<vmem>>, vector<16xf32>,
    %get3A_440 = vector.shape_cast %get3A_439 : vector<16xf32> to vector<16xf32>
    %min3A_441 = arith.minimumf %get3A_437, %get3A_440 : vector<16xf32>
    %swap3A_442 = arith.constant 496 : index
    %swap3A_443 = tpu.vector_load %arg12[%swap3A_442] {strides = array<i32>} : memref<512xf32, #tpu.memory_space<vmem>>, vector<16xf32>,
    %swap3A_444 = vector.shape_cast %swap3A_443 : vector<16xf32> to vector<16xf32>
    %swap3A_445 = vector.shape_cast %min3A_441 : vector<16xf32> to vector<16xf32>
    tpu.vector_store %arg12[%swap3A_442], %swap3A_445 {strides = array<i32>} : memref<512xf32, #tpu.memory_space<vmem>>, vector<16xf32>,
    %dma_start3A_446 = tpu.memref_slice %arg9[%mul3A_2] : memref<16384xf32, #tpu.memory_space<hbm>> -> memref<512xf32, #tpu.memory_space<hbm>>
    %dma_start3A_447 = tpu.memref_slice %arg9[%mul3A_2] : memref<16384xf32, #tpu.memory_space<hbm>> -> memref<512xf32, #tpu.memory_space<hbm>>
    tpu.enqueue_dma source(%arg12 : memref<512xf32, #tpu.memory_space<vmem>>) target(%dma_start3A_447 : memref<512xf32, #tpu.memory_space<hbm>>) target_semaphore(%arg25 : memref<!tpu.dma_semaphore, #tpu.memory_space<semaphore_mem>>)
    %dma_start3A_448 = arith.constant 2 : i32
    %dma_start3A_449 = arith.constant 0 : i32
    %dma_start3A_450 = tpu.memref_slice %arg10[%dma_start3A_448, %dma_start3A_449] : memref<4x128xi32, #tpu.memory_space<vmem>> -> memref<1x128xi32, #tpu.memory_space<vmem>>
    %dma_start3A_451 = tpu.memref_squeeze %dma_start3A_450 : memref<1x128xi32, #tpu.memory_space<vmem>> -> memref<128xi32, #tpu.memory_space<vmem>>
    %dma_start3A_452 = arith.constant 0 : i32
    %dma_start3A_453 = arith.constant 0 : i32
    %dma_start3A_454 = tpu.memref_slice %arg4[%dma_start3A_452, %dma_start3A_453] : memref<100000x128xf32, #tpu.memory_space<hbm>> -> memref<100000x128xf32, #tpu.memory_space<hbm>>
    tpu.enqueue_indirect_dma source(%dma_start3A_454 : memref<100000x128xf32, #tpu.memory_space<hbm>>) target(%arg17 : memref<128x128xf32, #tpu.memory_space<vmem>>) offsets(%dma_start3A_451 : memref<128xi32, #tpu.memory_space<vmem>>) semaphore(%arg21 : memref<!tpu.dma_semaphore, #tpu.memory_space<semaphore_mem>>)
    %dma_start3A_455 = arith.constant 2 : i32
    %dma_start3A_456 = arith.constant 0 : i32
    %dma_start3A_457 = tpu.memref_slice %arg10[%dma_start3A_455, %dma_start3A_456] : memref<4x128xi32, #tpu.memory_space<vmem>> -> memref<1x128xi32, #tpu.memory_space<vmem>>
    %dma_start3A_458 = tpu.memref_squeeze %dma_start3A_457 : memref<1x128xi32, #tpu.memory_space<vmem>> -> memref<128xi32, #tpu.memory_space<vmem>>
    %dma_start3A_459 = arith.constant 0 : i32
    %dma_start3A_460 = arith.constant 0 : i32
    %dma_start3A_461 = tpu.memref_slice %arg5[%dma_start3A_459, %dma_start3A_460] : memref<100000x128xf32, #tpu.memory_space<hbm>> -> memref<100000x128xf32, #tpu.memory_space<hbm>>
    tpu.enqueue_indirect_dma source(%dma_start3A_461 : memref<100000x128xf32, #tpu.memory_space<hbm>>) target(%arg18 : memref<128x128xf32, #tpu.memory_space<vmem>>) offsets(%dma_start3A_458 : memref<128xi32, #tpu.memory_space<vmem>>) semaphore(%arg21 : memref<!tpu.dma_semaphore, #tpu.memory_space<semaphore_mem>>)
    %dma_wait3A_462 = arith.constant 0 : i32
    %dma_wait3A_463 = arith.constant 0 : i32
    %dma_wait3A_464 = tpu.memref_slice %arg10[%dma_wait3A_462, %dma_wait3A_463] : memref<4x128xi32, #tpu.memory_space<vmem>> -> memref<1x128xi32, #tpu.memory_space<vmem>>
    %dma_wait3A_465 = tpu.memref_squeeze %dma_wait3A_464 : memref<1x128xi32, #tpu.memory_space<vmem>> -> memref<128xi32, #tpu.memory_space<vmem>>
    %dma_wait3A_466 = arith.constant 0 : i32
    %dma_wait3A_467 = arith.constant 0 : i32
    %dma_wait3A_468 = tpu.memref_slice %arg4[%dma_wait3A_466, %dma_wait3A_467] : memref<100000x128xf32, #tpu.memory_space<hbm>> -> memref<100000x128xf32, #tpu.memory_space<hbm>>
    tpu.wait_indirect_dma semaphore(%arg19 : memref<!tpu.dma_semaphore, #tpu.memory_space<semaphore_mem>>) src(%dma_wait3A_468 : memref<100000x128xf32, #tpu.memory_space<hbm>>) dst(%arg13 : memref<128x128xf32, #tpu.memory_space<vmem>>)
    %dma_wait3A_469 = arith.constant 0 : i32
    %dma_wait3A_470 = arith.constant 0 : i32
    %dma_wait3A_471 = tpu.memref_slice %arg10[%dma_wait3A_469, %dma_wait3A_470] : memref<4x128xi32, #tpu.memory_space<vmem>> -> memref<1x128xi32, #tpu.memory_space<vmem>>
    %dma_wait3A_472 = tpu.memref_squeeze %dma_wait3A_471 : memref<1x128xi32, #tpu.memory_space<vmem>> -> memref<128xi32, #tpu.memory_space<vmem>>
    %dma_wait3A_473 = arith.constant 0 : i32
    %dma_wait3A_474 = arith.constant 0 : i32
    %dma_wait3A_475 = tpu.memref_slice %arg5[%dma_wait3A_473, %dma_wait3A_474] : memref<100000x128xf32, #tpu.memory_space<hbm>> -> memref<100000x128xf32, #tpu.memory_space<hbm>>
    tpu.wait_indirect_dma semaphore(%arg19 : memref<!tpu.dma_semaphore, #tpu.memory_space<semaphore_mem>>) src(%dma_wait3A_475 : memref<100000x128xf32, #tpu.memory_space<hbm>>) dst(%arg14 : memref<128x128xf32, #tpu.memory_space<vmem>>)
    %add3A_476 = arith.constant 0 : i32
    %add3A_477 = arith.addi %mul3A_2, %add3A_476 : i32
    %dma_start3A_478 = arith.constant 0 : i32
    %dma_start3A_479 = tpu.memref_slice %arg7[%add3A_477, %dma_start3A_478] : memref<16384x128xf32, #tpu.memory_space<hbm>> -> memref<128x128xf32, #tpu.memory_space<hbm>>
    %dma_start3A_480 = arith.constant 0 : i32
    %dma_start3A_481 = tpu.memref_slice %arg7[%add3A_477, %dma_start3A_480] : memref<16384x128xf32, #tpu.memory_space<hbm>> -> memref<128x128xf32, #tpu.memory_space<hbm>>
    tpu.enqueue_dma source(%arg13 : memref<128x128xf32, #tpu.memory_space<vmem>>) target(%dma_start3A_481 : memref<128x128xf32, #tpu.memory_space<hbm>>) target_semaphore(%arg22 : memref<!tpu.dma_semaphore, #tpu.memory_space<semaphore_mem>>)
    %dma_start3A_482 = arith.constant 0 : i32
    %dma_start3A_483 = tpu.memref_slice %arg8[%add3A_477, %dma_start3A_482] : memref<16384x128xf32, #tpu.memory_space<hbm>> -> memref<128x128xf32, #tpu.memory_space<hbm>>
    %dma_start3A_484 = arith.constant 0 : i32
    %dma_start3A_485 = tpu.memref_slice %arg8[%add3A_477, %dma_start3A_484] : memref<16384x128xf32, #tpu.memory_space<hbm>> -> memref<128x128xf32, #tpu.memory_space<hbm>>
    tpu.enqueue_dma source(%arg14 : memref<128x128xf32, #tpu.memory_space<vmem>>) target(%dma_start3A_485 : memref<128x128xf32, #tpu.memory_space<hbm>>) target_semaphore(%arg22 : memref<!tpu.dma_semaphore, #tpu.memory_space<semaphore_mem>>)
    %dma_wait3A_486 = arith.constant 0 : i32
    %dma_wait3A_487 = tpu.memref_slice %arg7[%add3A_477, %dma_wait3A_486] : memref<16384x128xf32, #tpu.memory_space<hbm>> -> memref<128x128xf32, #tpu.memory_space<hbm>>
    %dma_wait3A_488 = arith.constant 0 : i32
    %dma_wait3A_489 = tpu.memref_slice %arg7[%add3A_477, %dma_wait3A_488] : memref<16384x128xf32, #tpu.memory_space<hbm>> -> memref<128x128xf32, #tpu.memory_space<hbm>>
    tpu.wait_dma2 semaphore(%arg22 : memref<!tpu.dma_semaphore, #tpu.memory_space<semaphore_mem>>) src(%arg13 : memref<128x128xf32, #tpu.memory_space<vmem>>) dst(%dma_wait3A_489 : memref<128x128xf32, #tpu.memory_space<hbm>>)
    %dma_wait3A_490 = arith.constant 0 : i32
    %dma_wait3A_491 = tpu.memref_slice %arg8[%add3A_477, %dma_wait3A_490] : memref<16384x128xf32, #tpu.memory_space<hbm>> -> memref<128x128xf32, #tpu.memory_space<hbm>>
    %dma_wait3A_492 = arith.constant 0 : i32
    %dma_wait3A_493 = tpu.memref_slice %arg8[%add3A_477, %dma_wait3A_492] : memref<16384x128xf32, #tpu.memory_space<hbm>> -> memref<128x128xf32, #tpu.memory_space<hbm>>
    tpu.wait_dma2 semaphore(%arg22 : memref<!tpu.dma_semaphore, #tpu.memory_space<semaphore_mem>>) src(%arg14 : memref<128x128xf32, #tpu.memory_space<vmem>>) dst(%dma_wait3A_493 : memref<128x128xf32, #tpu.memory_space<hbm>>)
    %dma_start3A_494 = arith.constant 3 : i32
    %dma_start3A_495 = arith.constant 0 : i32
    %dma_start3A_496 = tpu.memref_slice %arg10[%dma_start3A_494, %dma_start3A_495] : memref<4x128xi32, #tpu.memory_space<vmem>> -> memref<1x128xi32, #tpu.memory_space<vmem>>
    %dma_start3A_497 = tpu.memref_squeeze %dma_start3A_496 : memref<1x128xi32, #tpu.memory_space<vmem>> -> memref<128xi32, #tpu.memory_space<vmem>>
    %dma_start3A_498 = arith.constant 0 : i32
    %dma_start3A_499 = arith.constant 0 : i32
    %dma_start3A_500 = tpu.memref_slice %arg4[%dma_start3A_498, %dma_start3A_499] : memref<100000x128xf32, #tpu.memory_space<hbm>> -> memref<100000x128xf32, #tpu.memory_space<hbm>>
    tpu.enqueue_indirect_dma source(%dma_start3A_500 : memref<100000x128xf32, #tpu.memory_space<hbm>>) target(%arg13 : memref<128x128xf32, #tpu.memory_space<vmem>>) offsets(%dma_start3A_497 : memref<128xi32, #tpu.memory_space<vmem>>) semaphore(%arg19 : memref<!tpu.dma_semaphore, #tpu.memory_space<semaphore_mem>>)
    %dma_start3A_501 = arith.constant 3 : i32
    %dma_start3A_502 = arith.constant 0 : i32
    %dma_start3A_503 = tpu.memref_slice %arg10[%dma_start3A_501, %dma_start3A_502] : memref<4x128xi32, #tpu.memory_space<vmem>> -> memref<1x128xi32, #tpu.memory_space<vmem>>
    %dma_start3A_504 = tpu.memref_squeeze %dma_start3A_503 : memref<1x128xi32, #tpu.memory_space<vmem>> -> memref<128xi32, #tpu.memory_space<vmem>>
    %dma_start3A_505 = arith.constant 0 : i32
    %dma_start3A_506 = arith.constant 0 : i32
    %dma_start3A_507 = tpu.memref_slice %arg5[%dma_start3A_505, %dma_start3A_506] : memref<100000x128xf32, #tpu.memory_space<hbm>> -> memref<100000x128xf32, #tpu.memory_space<hbm>>
    tpu.enqueue_indirect_dma source(%dma_start3A_507 : memref<100000x128xf32, #tpu.memory_space<hbm>>) target(%arg14 : memref<128x128xf32, #tpu.memory_space<vmem>>) offsets(%dma_start3A_504 : memref<128xi32, #tpu.memory_space<vmem>>) semaphore(%arg19 : memref<!tpu.dma_semaphore, #tpu.memory_space<semaphore_mem>>)
    %dma_wait3A_508 = arith.constant 1 : i32
    %dma_wait3A_509 = arith.constant 0 : i32
    %dma_wait3A_510 = tpu.memref_slice %arg10[%dma_wait3A_508, %dma_wait3A_509] : memref<4x128xi32, #tpu.memory_space<vmem>> -> memref<1x128xi32, #tpu.memory_space<vmem>>
    %dma_wait3A_511 = tpu.memref_squeeze %dma_wait3A_510 : memref<1x128xi32, #tpu.memory_space<vmem>> -> memref<128xi32, #tpu.memory_space<vmem>>
    %dma_wait3A_512 = arith.constant 0 : i32
    %dma_wait3A_513 = arith.constant 0 : i32
    %dma_wait3A_514 = tpu.memref_slice %arg4[%dma_wait3A_512, %dma_wait3A_513] : memref<100000x128xf32, #tpu.memory_space<hbm>> -> memref<100000x128xf32, #tpu.memory_space<hbm>>
    tpu.wait_indirect_dma semaphore(%arg20 : memref<!tpu.dma_semaphore, #tpu.memory_space<semaphore_mem>>) src(%dma_wait3A_514 : memref<100000x128xf32, #tpu.memory_space<hbm>>) dst(%arg15 : memref<128x128xf32, #tpu.memory_space<vmem>>)
    %dma_wait3A_515 = arith.constant 1 : i32
    %dma_wait3A_516 = arith.constant 0 : i32
    %dma_wait3A_517 = tpu.memref_slice %arg10[%dma_wait3A_515, %dma_wait3A_516] : memref<4x128xi32, #tpu.memory_space<vmem>> -> memref<1x128xi32, #tpu.memory_space<vmem>>
    %dma_wait3A_518 = tpu.memref_squeeze %dma_wait3A_517 : memref<1x128xi32, #tpu.memory_space<vmem>> -> memref<128xi32, #tpu.memory_space<vmem>>
    %dma_wait3A_519 = arith.constant 0 : i32
    %dma_wait3A_520 = arith.constant 0 : i32
    %dma_wait3A_521 = tpu.memref_slice %arg5[%dma_wait3A_519, %dma_wait3A_520] : memref<100000x128xf32, #tpu.memory_space<hbm>> -> memref<100000x128xf32, #tpu.memory_space<hbm>>
    tpu.wait_indirect_dma semaphore(%arg20 : memref<!tpu.dma_semaphore, #tpu.memory_space<semaphore_mem>>) src(%dma_wait3A_521 : memref<100000x128xf32, #tpu.memory_space<hbm>>) dst(%arg16 : memref<128x128xf32, #tpu.memory_space<vmem>>)
    %add3A_522 = arith.constant 128 : i32
    %add3A_523 = arith.addi %mul3A_2, %add3A_522 : i32
    %dma_start3A_524 = arith.constant 0 : i32
    %dma_start3A_525 = tpu.memref_slice %arg7[%add3A_523, %dma_start3A_524] : memref<16384x128xf32, #tpu.memory_space<hbm>> -> memref<128x128xf32, #tpu.memory_space<hbm>>
    %dma_start3A_526 = arith.constant 0 : i32
    %dma_start3A_527 = tpu.memref_slice %arg7[%add3A_523, %dma_start3A_526] : memref<16384x128xf32, #tpu.memory_space<hbm>> -> memref<128x128xf32, #tpu.memory_space<hbm>>
    tpu.enqueue_dma source(%arg15 : memref<128x128xf32, #tpu.memory_space<vmem>>) target(%dma_start3A_527 : memref<128x128xf32, #tpu.memory_space<hbm>>) target_semaphore(%arg23 : memref<!tpu.dma_semaphore, #tpu.memory_space<semaphore_mem>>)
    %dma_start3A_528 = arith.constant 0 : i32
    %dma_start3A_529 = tpu.memref_slice %arg8[%add3A_523, %dma_start3A_528] : memref<16384x128xf32, #tpu.memory_space<hbm>> -> memref<128x128xf32, #tpu.memory_space<hbm>>
    %dma_start3A_530 = arith.constant 0 : i32
    %dma_start3A_531 = tpu.memref_slice %arg8[%add3A_523, %dma_start3A_530] : memref<16384x128xf32, #tpu.memory_space<hbm>> -> memref<128x128xf32, #tpu.memory_space<hbm>>
    tpu.enqueue_dma source(%arg16 : memref<128x128xf32, #tpu.memory_space<vmem>>) target(%dma_start3A_531 : memref<128x128xf32, #tpu.memory_space<hbm>>) target_semaphore(%arg23 : memref<!tpu.dma_semaphore, #tpu.memory_space<semaphore_mem>>)
    %dma_wait3A_532 = arith.constant 2 : i32
    %dma_wait3A_533 = arith.constant 0 : i32
    %dma_wait3A_534 = tpu.memref_slice %arg10[%dma_wait3A_532, %dma_wait3A_533] : memref<4x128xi32, #tpu.memory_space<vmem>> -> memref<1x128xi32, #tpu.memory_space<vmem>>
    %dma_wait3A_535 = tpu.memref_squeeze %dma_wait3A_534 : memref<1x128xi32, #tpu.memory_space<vmem>> -> memref<128xi32, #tpu.memory_space<vmem>>
    %dma_wait3A_536 = arith.constant 0 : i32
    %dma_wait3A_537 = arith.constant 0 : i32
    %dma_wait3A_538 = tpu.memref_slice %arg4[%dma_wait3A_536, %dma_wait3A_537] : memref<100000x128xf32, #tpu.memory_space<hbm>> -> memref<100000x128xf32, #tpu.memory_space<hbm>>
    tpu.wait_indirect_dma semaphore(%arg21 : memref<!tpu.dma_semaphore, #tpu.memory_space<semaphore_mem>>) src(%dma_wait3A_538 : memref<100000x128xf32, #tpu.memory_space<hbm>>) dst(%arg17 : memref<128x128xf32, #tpu.memory_space<vmem>>)
    %dma_wait3A_539 = arith.constant 2 : i32
    %dma_wait3A_540 = arith.constant 0 : i32
    %dma_wait3A_541 = tpu.memref_slice %arg10[%dma_wait3A_539, %dma_wait3A_540] : memref<4x128xi32, #tpu.memory_space<vmem>> -> memref<1x128xi32, #tpu.memory_space<vmem>>
    %dma_wait3A_542 = tpu.memref_squeeze %dma_wait3A_541 : memref<1x128xi32, #tpu.memory_space<vmem>> -> memref<128xi32, #tpu.memory_space<vmem>>
    %dma_wait3A_543 = arith.constant 0 : i32
    %dma_wait3A_544 = arith.constant 0 : i32
    %dma_wait3A_545 = tpu.memref_slice %arg5[%dma_wait3A_543, %dma_wait3A_544] : memref<100000x128xf32, #tpu.memory_space<hbm>> -> memref<100000x128xf32, #tpu.memory_space<hbm>>
    tpu.wait_indirect_dma semaphore(%arg21 : memref<!tpu.dma_semaphore, #tpu.memory_space<semaphore_mem>>) src(%dma_wait3A_545 : memref<100000x128xf32, #tpu.memory_space<hbm>>) dst(%arg18 : memref<128x128xf32, #tpu.memory_space<vmem>>)
    %add3A_546 = arith.constant 256 : i32
    %add3A_547 = arith.addi %mul3A_2, %add3A_546 : i32
    %dma_start3A_548 = arith.constant 0 : i32
    %dma_start3A_549 = tpu.memref_slice %arg7[%add3A_547, %dma_start3A_548] : memref<16384x128xf32, #tpu.memory_space<hbm>> -> memref<128x128xf32, #tpu.memory_space<hbm>>
    %dma_start3A_550 = arith.constant 0 : i32
    %dma_start3A_551 = tpu.memref_slice %arg7[%add3A_547, %dma_start3A_550] : memref<16384x128xf32, #tpu.memory_space<hbm>> -> memref<128x128xf32, #tpu.memory_space<hbm>>
    tpu.enqueue_dma source(%arg17 : memref<128x128xf32, #tpu.memory_space<vmem>>) target(%dma_start3A_551 : memref<128x128xf32, #tpu.memory_space<hbm>>) target_semaphore(%arg24 : memref<!tpu.dma_semaphore, #tpu.memory_space<semaphore_mem>>)
    %dma_start3A_552 = arith.constant 0 : i32
    %dma_start3A_553 = tpu.memref_slice %arg8[%add3A_547, %dma_start3A_552] : memref<16384x128xf32, #tpu.memory_space<hbm>> -> memref<128x128xf32, #tpu.memory_space<hbm>>
    %dma_start3A_554 = arith.constant 0 : i32
    %dma_start3A_555 = tpu.memref_slice %arg8[%add3A_547, %dma_start3A_554] : memref<16384x128xf32, #tpu.memory_space<hbm>> -> memref<128x128xf32, #tpu.memory_space<hbm>>
    tpu.enqueue_dma source(%arg18 : memref<128x128xf32, #tpu.memory_space<vmem>>) target(%dma_start3A_555 : memref<128x128xf32, #tpu.memory_space<hbm>>) target_semaphore(%arg24 : memref<!tpu.dma_semaphore, #tpu.memory_space<semaphore_mem>>)
    %dma_wait3A_556 = arith.constant 3 : i32
    %dma_wait3A_557 = arith.constant 0 : i32
    %dma_wait3A_558 = tpu.memref_slice %arg10[%dma_wait3A_556, %dma_wait3A_557] : memref<4x128xi32, #tpu.memory_space<vmem>> -> memref<1x128xi32, #tpu.memory_space<vmem>>
    %dma_wait3A_559 = tpu.memref_squeeze %dma_wait3A_558 : memref<1x128xi32, #tpu.memory_space<vmem>> -> memref<128xi32, #tpu.memory_space<vmem>>
    %dma_wait3A_560 = arith.constant 0 : i32
    %dma_wait3A_561 = arith.constant 0 : i32
    %dma_wait3A_562 = tpu.memref_slice %arg4[%dma_wait3A_560, %dma_wait3A_561] : memref<100000x128xf32, #tpu.memory_space<hbm>> -> memref<100000x128xf32, #tpu.memory_space<hbm>>
    tpu.wait_indirect_dma semaphore(%arg19 : memref<!tpu.dma_semaphore, #tpu.memory_space<semaphore_mem>>) src(%dma_wait3A_562 : memref<100000x128xf32, #tpu.memory_space<hbm>>) dst(%arg13 : memref<128x128xf32, #tpu.memory_space<vmem>>)
    %dma_wait3A_563 = arith.constant 3 : i32
    %dma_wait3A_564 = arith.constant 0 : i32
    %dma_wait3A_565 = tpu.memref_slice %arg10[%dma_wait3A_563, %dma_wait3A_564] : memref<4x128xi32, #tpu.memory_space<vmem>> -> memref<1x128xi32, #tpu.memory_space<vmem>>
    %dma_wait3A_566 = tpu.memref_squeeze %dma_wait3A_565 : memref<1x128xi32, #tpu.memory_space<vmem>> -> memref<128xi32, #tpu.memory_space<vmem>>
    %dma_wait3A_567 = arith.constant 0 : i32
    %dma_wait3A_568 = arith.constant 0 : i32
    %dma_wait3A_569 = tpu.memref_slice %arg5[%dma_wait3A_567, %dma_wait3A_568] : memref<100000x128xf32, #tpu.memory_space<hbm>> -> memref<100000x128xf32, #tpu.memory_space<hbm>>
    tpu.wait_indirect_dma semaphore(%arg19 : memref<!tpu.dma_semaphore, #tpu.memory_space<semaphore_mem>>) src(%dma_wait3A_569 : memref<100000x128xf32, #tpu.memory_space<hbm>>) dst(%arg14 : memref<128x128xf32, #tpu.memory_space<vmem>>)
    %add3A_570 = arith.constant 384 : i32
    %add3A_571 = arith.addi %mul3A_2, %add3A_570 : i32
    %dma_start3A_572 = arith.constant 0 : i32
    %dma_start3A_573 = tpu.memref_slice %arg7[%add3A_571, %dma_start3A_572] : memref<16384x128xf32, #tpu.memory_space<hbm>> -> memref<128x128xf32, #tpu.memory_space<hbm>>
    %dma_start3A_574 = arith.constant 0 : i32
    %dma_start3A_575 = tpu.memref_slice %arg7[%add3A_571, %dma_start3A_574] : memref<16384x128xf32, #tpu.memory_space<hbm>> -> memref<128x128xf32, #tpu.memory_space<hbm>>
    tpu.enqueue_dma source(%arg13 : memref<128x128xf32, #tpu.memory_space<vmem>>) target(%dma_start3A_575 : memref<128x128xf32, #tpu.memory_space<hbm>>) target_semaphore(%arg22 : memref<!tpu.dma_semaphore, #tpu.memory_space<semaphore_mem>>)
    %dma_start3A_576 = arith.constant 0 : i32
    %dma_start3A_577 = tpu.memref_slice %arg8[%add3A_571, %dma_start3A_576] : memref<16384x128xf32, #tpu.memory_space<hbm>> -> memref<128x128xf32, #tpu.memory_space<hbm>>
    %dma_start3A_578 = arith.constant 0 : i32
    %dma_start3A_579 = tpu.memref_slice %arg8[%add3A_571, %dma_start3A_578] : memref<16384x128xf32, #tpu.memory_space<hbm>> -> memref<128x128xf32, #tpu.memory_space<hbm>>
    tpu.enqueue_dma source(%arg14 : memref<128x128xf32, #tpu.memory_space<vmem>>) target(%dma_start3A_579 : memref<128x128xf32, #tpu.memory_space<hbm>>) target_semaphore(%arg22 : memref<!tpu.dma_semaphore, #tpu.memory_space<semaphore_mem>>)
    %dma_wait3A_580 = tpu.memref_slice %arg9[%mul3A_2] : memref<16384xf32, #tpu.memory_space<hbm>> -> memref<512xf32, #tpu.memory_space<hbm>>
    %dma_wait3A_581 = tpu.memref_slice %arg9[%mul3A_2] : memref<16384xf32, #tpu.memory_space<hbm>> -> memref<512xf32, #tpu.memory_space<hbm>>
    tpu.wait_dma2 semaphore(%arg25 : memref<!tpu.dma_semaphore, #tpu.memory_space<semaphore_mem>>) src(%arg12 : memref<512xf32, #tpu.memory_space<vmem>>) dst(%dma_wait3A_581 : memref<512xf32, #tpu.memory_space<hbm>>)
    %dma_wait3A_582 = arith.constant 0 : i32
    %dma_wait3A_583 = tpu.memref_slice %arg7[%add3A_571, %dma_wait3A_582] : memref<16384x128xf32, #tpu.memory_space<hbm>> -> memref<128x128xf32, #tpu.memory_space<hbm>>
    %dma_wait3A_584 = arith.constant 0 : i32
    %dma_wait3A_585 = tpu.memref_slice %arg7[%add3A_571, %dma_wait3A_584] : memref<16384x128xf32, #tpu.memory_space<hbm>> -> memref<128x128xf32, #tpu.memory_space<hbm>>
    tpu.wait_dma2 semaphore(%arg22 : memref<!tpu.dma_semaphore, #tpu.memory_space<semaphore_mem>>) src(%arg13 : memref<128x128xf32, #tpu.memory_space<vmem>>) dst(%dma_wait3A_585 : memref<128x128xf32, #tpu.memory_space<hbm>>)
    %dma_wait3A_586 = arith.constant 0 : i32
    %dma_wait3A_587 = tpu.memref_slice %arg8[%add3A_571, %dma_wait3A_586] : memref<16384x128xf32, #tpu.memory_space<hbm>> -> memref<128x128xf32, #tpu.memory_space<hbm>>
    %dma_wait3A_588 = arith.constant 0 : i32
    %dma_wait3A_589 = tpu.memref_slice %arg8[%add3A_571, %dma_wait3A_588] : memref<16384x128xf32, #tpu.memory_space<hbm>> -> memref<128x128xf32, #tpu.memory_space<hbm>>
    tpu.wait_dma2 semaphore(%arg22 : memref<!tpu.dma_semaphore, #tpu.memory_space<semaphore_mem>>) src(%arg14 : memref<128x128xf32, #tpu.memory_space<vmem>>) dst(%dma_wait3A_589 : memref<128x128xf32, #tpu.memory_space<hbm>>)
    %dma_wait3A_590 = arith.constant 0 : i32
    %dma_wait3A_591 = tpu.memref_slice %arg7[%add3A_523, %dma_wait3A_590] : memref<16384x128xf32, #tpu.memory_space<hbm>> -> memref<128x128xf32, #tpu.memory_space<hbm>>
    %dma_wait3A_592 = arith.constant 0 : i32
    %dma_wait3A_593 = tpu.memref_slice %arg7[%add3A_523, %dma_wait3A_592] : memref<16384x128xf32, #tpu.memory_space<hbm>> -> memref<128x128xf32, #tpu.memory_space<hbm>>
    tpu.wait_dma2 semaphore(%arg23 : memref<!tpu.dma_semaphore, #tpu.memory_space<semaphore_mem>>) src(%arg15 : memref<128x128xf32, #tpu.memory_space<vmem>>) dst(%dma_wait3A_593 : memref<128x128xf32, #tpu.memory_space<hbm>>)
    %dma_wait3A_594 = arith.constant 0 : i32
    %dma_wait3A_595 = tpu.memref_slice %arg8[%add3A_523, %dma_wait3A_594] : memref<16384x128xf32, #tpu.memory_space<hbm>> -> memref<128x128xf32, #tpu.memory_space<hbm>>
    %dma_wait3A_596 = arith.constant 0 : i32
    %dma_wait3A_597 = tpu.memref_slice %arg8[%add3A_523, %dma_wait3A_596] : memref<16384x128xf32, #tpu.memory_space<hbm>> -> memref<128x128xf32, #tpu.memory_space<hbm>>
    tpu.wait_dma2 semaphore(%arg23 : memref<!tpu.dma_semaphore, #tpu.memory_space<semaphore_mem>>) src(%arg16 : memref<128x128xf32, #tpu.memory_space<vmem>>) dst(%dma_wait3A_597 : memref<128x128xf32, #tpu.memory_space<hbm>>)
    %dma_wait3A_598 = arith.constant 0 : i32
    %dma_wait3A_599 = tpu.memref_slice %arg7[%add3A_547, %dma_wait3A_598] : memref<16384x128xf32, #tpu.memory_space<hbm>> -> memref<128x128xf32, #tpu.memory_space<hbm>>
    %dma_wait3A_600 = arith.constant 0 : i32
    %dma_wait3A_601 = tpu.memref_slice %arg7[%add3A_547, %dma_wait3A_600] : memref<16384x128xf32, #tpu.memory_space<hbm>> -> memref<128x128xf32, #tpu.memory_space<hbm>>
    tpu.wait_dma2 semaphore(%arg24 : memref<!tpu.dma_semaphore, #tpu.memory_space<semaphore_mem>>) src(%arg17 : memref<128x128xf32, #tpu.memory_space<vmem>>) dst(%dma_wait3A_601 : memref<128x128xf32, #tpu.memory_space<hbm>>)
    %dma_wait3A_602 = arith.constant 0 : i32
    %dma_wait3A_603 = tpu.memref_slice %arg8[%add3A_547, %dma_wait3A_602] : memref<16384x128xf32, #tpu.memory_space<hbm>> -> memref<128x128xf32, #tpu.memory_space<hbm>>
    %dma_wait3A_604 = arith.constant 0 : i32
    %dma_wait3A_605 = tpu.memref_slice %arg8[%add3A_547, %dma_wait3A_604] : memref<16384x128xf32, #tpu.memory_space<hbm>> -> memref<128x128xf32, #tpu.memory_space<hbm>>
    tpu.wait_dma2 semaphore(%arg24 : memref<!tpu.dma_semaphore, #tpu.memory_space<semaphore_mem>>) src(%arg18 : memref<128x128xf32, #tpu.memory_space<vmem>>) dst(%dma_wait3A_605 : memref<128x128xf32, #tpu.memory_space<hbm>>)
    return
  }
}

</mosaic_0001>

<sc_bundles>
// kernel: kernel.3.cloned.1.call-start
scs
__scs_entry_jumppad:
0x0: {  	(pc) =	sbr.rel $0x88, $3  }
0x1: {  	(tag) =	ssettag $0x0;
	lr =	simm.s32 $0x1  }
0x2: {  	[smem:$0x3F9C] =	sst lr;
	_ =	strace $0xD0000000  }
0x3: {  	_ = 	snop  }
0x4: {  	_ = 	snop  }
0x5: {  	_ = 	snop  }
0x6: {  	_ = 	snop  }
0x7: {  	_ = 	snop  }
__scs_overlays_trampoline_lowered:
0x8: {  	[smem:$0x3FAB] =	sst s0  }
0x9: {  	[smem:$0x3FAC] =	sst s1  }
0xa: {  	[smem:$0x3FAD] =	sst s2  }
0xb: {  	[smem:$0x3FAE] =	sst s3  }
0xc: {  	[smem:$0x3FAF] =	sst s4  }
0xd: {  	[smem:$0x3FB0] =	sst s5  }
0xe: {  	[smem:$0x3FB1] =	sst s6  }
0xf: {  	[smem:$0x3FB2] =	sst s7  }
0x10: {  	[smem:$0x3FB3] =	sst s8  }
0x11: {  	[smem:$0x3FB4] =	sst s9;
	s0 =	simm.s32 @!p0 $0x0  }
0x12: {  	s1 =	sld [smem:$0x3F9A];
	s0 =	simm.s32 @p0 $0x1  }
0x13: {  	[smem:$0x3FB5] =	sst s0;
	s0 =	simm.s32 @!p1 $0x0  }
0x14: {  	s2 =	sld [smem:$0x3F99];
	s0 =	simm.s32 @p1 $0x1  }
0x15: {  	[smem:$0x3FB6] =	sst s0;
	s0 =	simm.s32 @!p2 $0x0  }
0x16: {  	s3 =	sld [smem:$0x3FDB];
	s0 =	simm.s32 @p2 $0x1  }
0x17: {  	s4 =	simm.s32 $0x1BF5;
	[smem:$0x3FB8] =	sst s0  }
0x18: {  	s0 =	sld [smem:$0x3F9B];
	_ =	swait.ge [sflag:s4], $0x0  }
0x19: {  	s7 =	sld [smem:$0x3F9C]  }
0x1a: {  	s8 =	sadd.s32 $0xFFFFE003, lr  }
0x1b: {  	s9 =	sadd.s32 $0xFFFFFEF7, lr;
	s5 =	simm.s32 $0xFFFFFFFF;
	p2 =	slt.u32 s8, $0xFFFFF086  }
0x1c: {  	p1 =	slt.u32 s9, $0xF7A;
	s5 =	simm.s32 @!p2 $0x0  }
0x1d: {  	s5 =	simm.s32 @p1 $0x1;
	p0 =	seq.s32 s7, s2  }
0x1e: {  	s7 =	smul.u32 @!p0 $0xF7A, s2;
	p2 =	seq.s32 @!p0 s5, $0x0  }
0x1f: {  	s9 =	smul.u32 $0xF7A, s1;
	s8 =	simm.s32 @!p0 $0x1BF5;
	p2 =	por !p2, p0  }
0x20: {  	[sflag:s8] =	ssyncset.s32 @!p0 $0xFFFFF086;
	s6 =	sadd.s32 @!p0 s3, s7;
	s7 =	simm.s32 @!p0 $0x108  }
0x21: {  	s3 =	sadd.s32 s3, s9;
	s6 =	sadd.s32 @!p0 $0x88, s6;
	s7 =	simm.s32 @p2 $0x1082  }
0x22: {  	[simem:s7], [sflag:s8] =	dma.local @!p0 [hbm:s6], $0xF7A  }
0x23: {  	s9 =	sor.u32 $0xD0000000, s2;
	s6 =	simm.s32 $0x108;
	_ =	swait.ge @!p0 [sflag:s8], $0x0  }
0x24: {  	s3 =	sadd.s32 $0x88, s3;
	s6 =	simm.s32 @!p1 $0x1082;
	[sflag:s4] =	ssyncset.s32 $0xFFFFF086  }
0x25: {  	[simem:s6], [sflag:s4] =	dma.local [hbm:s3], $0xF7A  }
0x26: {  	[smem:$0x3F9C] =	sst s1;
	(tag) =	ssettag s2;
	_ =	strace s9  }
0x27: {  	s1 =	sld [smem:$0x3FAC]  }
0x28: {  	s2 =	sld [smem:$0x3FAD]  }
0x29: {  	s4 =	sld [smem:$0x3FAF]  }
0x2a: {  	p0 =	seq.s32 s5, $0x0;
	s5 =	sld [smem:$0x3FB0]  }
0x2b: {  	s6 =	sld [smem:$0x3FB1]  }
0x2c: {  	s7 =	sld [smem:$0x3FB2]  }
0x2d: {  	s3 =	simm.s32 $0x108;
	s8 =	sld [smem:$0x3FB3]  }
0x2e: {  	s3 =	simm.s32 @!p0 $0x1082;
	s9 =	sld [smem:$0x3FB4]  }
0x2f: {  	lr =	sadd.s32 s0, s3;
	s0 =	sld [smem:$0x3FAB]  }
0x30: {  	s3 =	sld [smem:$0x3FAE]  }
0x31: {  	[smem:$0x3FB7] =	sst s10  }
0x32: {  	s10 =	sld [smem:$0x3FB5];
	_ =	sdelay $0x3  }
0x33: {  	p0 =	seq.s32 s10, $0x1;
	s10 =	sld [smem:$0x3FB7];
	_ =	sdelay $0x3  }
0x34: {  	[smem:$0x3FB7] =	sst s10  }
0x35: {  	s10 =	sld [smem:$0x3FB6];
	_ =	sdelay $0x3  }
0x36: {  	p1 =	seq.s32 s10, $0x1;
	s10 =	sld [smem:$0x3FB7];
	_ =	sdelay $0x3  }
0x37: {  	[smem:$0x3FB7] =	sst s10  }
0x38: {  	s10 =	sld [smem:$0x3FB8]  }
0x39: {  	_ = 	snop;
	(pc) =	sbr.ind lr, $3  }
0x3a: {  	_ = 	snop  }
0x3b: {  	_ = 	snop  }
0x3c: {  	p2 =	seq.s32 s10, $0x1;
	s10 =	sld [smem:$0x3FB7]  }
0x3d: {  	_ =	shalt  }
0x3e: {  	_ =	shalt  }
0x3f: {  	_ =	shalt  }
0x40: {  	_ =	shalt  }
0x41: {  	_ =	shalt  }
0x42: {  	_ =	shalt  }
0x43: {  	_ =	shalt  }
0x44: {  	_ =	shalt  }
0x45: {  	_ =	shalt  }
0x46: {  	_ =	shalt  }
0x47: {  	_ =	shalt  }
0x48: {  	_ =	shalt  }
0x49: {  	_ =	shalt  }
0x4a: {  	_ =	shalt  }
0x4b: {  	_ =	shalt  }
0x4c: {  	_ =	shalt  }
0x4d: {  	_ =	shalt  }
0x4e: {  	_ =	shalt  }
0x4f: {  	_ =	shalt  }
0x50: {  	_ =	shalt  }
0x51: {  	_ =	shalt  }
0x52: {  	_ =	shalt  }
0x53: {  	_ =	shalt  }
0x54: {  	_ =	shalt  }
0x55: {  	_ =	shalt  }
0x56: {  	_ =	shalt  }
0x57: {  	_ =	shalt  }
0x58: {  	_ =	shalt  }
0x59: {  	_ =	shalt  }
0x5a: {  	_ =	shalt  }
0x5b: {  	_ =	shalt  }
0x5c: {  	_ =	shalt  }
0x5d: {  	_ =	shalt  }
0x5e: {  	_ =	shalt  }
0x5f: {  	_ =	shalt  }
0x60: {  	_ =	shalt  }
0x61: {  	_ =	shalt  }
0x62: {  	_ =	shalt  }
0x63: {  	_ =	shalt  }
0x64: {  	_ =	shalt  }
0x65: {  	_ =	shalt  }
0x66: {  	_ =	shalt  }
0x67: {  	_ =	shalt  }
0x68: {  	_ =	shalt  }
0x69: {  	_ =	shalt  }
0x6a: {  	_ =	shalt  }
0x6b: {  	_ =	shalt  }
0x6c: {  	_ =	shalt  }
0x6d: {  	_ =	shalt  }
0x6e: {  	_ =	shalt  }
0x6f: {  	_ =	shalt  }
0x70: {  	_ =	shalt  }
0x71: {  	_ =	shalt  }
0x72: {  	_ =	shalt  }
0x73: {  	_ =	shalt  }
0x74: {  	_ =	shalt  }
0x75: {  	_ =	shalt  }
0x76: {  	_ =	shalt  }
0x77: {  	_ =	shalt  }
0x78: {  	_ =	shalt  }
0x79: {  	_ =	shalt  }
0x7a: {  	_ =	shalt  }
0x7b: {  	_ =	shalt  }
0x7c: {  	_ =	shalt  }
0x7d: {  	_ =	shalt  }
0x7e: {  	_ =	shalt  }
0x7f: {  	_ =	shalt  }
0x80: {  	_ =	shalt  }
0x81: {  	_ =	shalt  }
0x82: {  	_ =	shalt  }
0x83: {  	_ =	shalt  }
0x84: {  	_ =	shalt  }
0x85: {  	_ =	shalt  }
0x86: {  	_ =	shalt  }
0x87: {  	_ =	shalt  }
.Lfunc_end0:
.L_simem_size_0:
called_computation_lowered:
.L_overlay_start_0:
0x88: {  	s2 =	sld [smem:$0x3FD9]  }
0x89: {  	s3 =	sld [smem:$0x3FFE];
	_ =	sdelay $0x1  }
0x8a: {  	s1 =	srdreg.scid  }
0x8b: {  	s0 =	sand.u32 $0x1, s1  }
0x8c: {  	s15 =	sshll.u32 s0, $0xA;
	s2 =	sadd.s32 s3, s2  }
0x8d: {  	s2 =	sadd.s32 s2, s15  }
0x8e: {  	[smem:$0x3FC3] =	sst s2  }
0x8f: {  	_ = 	snop  }
0x90: {  	s2 =	sld [smem:$0x3FC9]  }
0x91: {  	s16 =	sld [smem:$0x3FC8]  }
0x92: {  	s4 =	sld [smem:$0x3FD0]  }
0x93: {  	s5 =	sld [smem:$0x3FC7]  }
0x94: {  	s6 =	sld [smem:$0x3FC6]  }
0x95: {  	s8 =	simm.s32 $0xA;
	s9 =	simm.s32 $0x10;
	s7 =	sld [smem:$0x3FC5]  }
0x96: {  	[smem:s9], [sflag:s8] =	dma.local [hbm:s4], $0x1  }
0x97: {  	_ =	swait.eq [sflag:s8], $0x1  }
0x98: {  	s17 =	sld [smem:$0x10];
	[sflag:s8] =	ssyncset.done $0x0  }
0x99: {  	s18 =	sld [smem:$0x11];
	[sflag:s8] =	ssyncadd.s32 $0xFFFFFFFF  }
0x9a: {  	s19 =	sld [smem:$0x12];
	(tm) =	ssettm $0x1  }
0x9b: {  	s10 =	sld [smem:$0x3FFB];
	_ =	sdelay $0x3  }
0x9c: {  	_ =	strace s10  }
0x9d: {  	s10 =	sld [smem:$0x3FFC];
	_ =	sdelay $0x3  }
0x9e: {  	_ =	strace s10  }
0x9f: {  	s10 =	sld [smem:$0x3FFD];
	_ =	sdelay $0x3  }
0xa0: {  	_ =	strace s10  }
0xa1: {  	_ =	strace $0x8FFFFFFF  }
0xa2: {  	s20 =	sld [smem:$0x3FDB];
	_ =	sdelay $0x1  }
0xa3: {  	s11 =	simm.s32 $_scs_section_size  }
0xa4: {  	s12 =	simm.s32 $_size__tile_overlayer_lowered;
	s13 =	simm.s32 $_tile_overlayer_lowered  }
0xa5: {  	s23 =	simm.s32 $0x1BFF;
	s22 =	sshll.u32 s13, $0x1;
	s10 =	sadd.s32 s11, s20  }
0xa6: {  	s14 =	simm.s32 $0x0;
	s21 =	sshll.u32 s12, $0x1;
	s12 =	sadd.s32 s22, s10  }
0xa7: {  	[timem:s14], [sflag:s23] =	dma.local [hbm:s12], s21  }
0xa8: {  	_ =	swait.ge [sflag:s23], s21  }
0xa9: {  	s11 =	ssub.s32 $0x0, s21;
	[sflag:s23] =	ssyncset.done $0x0  }
0xaa: {  	[sflag:s23] =	ssyncadd.s32 s11;
	_ =	sdelay $0x1  }
0xab: {  	s24 =	simm.s32 $0x1B8B  }
0xac: {  	_ =	swait.ge [sflag:s24], $0x1  }
0xad: {  	[sflag:s24] =	ssyncset.done $0x0  }
0xae: {  	s25 =	simm.s32 $0x1B8E;
	[sflag:s24] =	ssyncadd.s32 $0xFFFFFFFF  }
0xaf: {  	s26 =	simm.s32 $execute0_lowered;
	[smem:$0x3FD2] =	sst s25  }
0xb0: {  	s11 =	sshll.u32 s26, $0x1;
	_ =	strace $0x80000046;
	[dreg:$0x1] =	wrdreg $0xFFFFFFFF  }
0xb1: {  	s28 =	simm.s32 $_size_execute0_lowered;
	s10 =	sadd.s32 s10, s11;
	[dreg:$0x0] =	wrdreg $0x0  }
0xb2: {  	s11 =	sshll.u32 s28, $0x1;
	[dreg:$0x2] =	wrdreg s10  }
0xb3: {  	[dreg:$0x3] =	wrdreg s11  }
0xb4: {  	[dreg:$0x4] =	wrdreg $0xC0  }
0xb5: {  	_ =	task [dreg:s14], $0x5FFFF  }
0xb6: {  	[dreg:$0x1] =	wrdreg $0xFFFFFFFF  }
0xb7: {  	[dreg:$0x0] =	wrdreg $0x60  }
0xb8: {  	[dreg:$0x2] =	wrdreg s2  }
0xb9: {  	[dreg:$0x3] =	wrdreg s16  }
0xba: {  	[dreg:$0x4] =	wrdreg s5  }
0xbb: {  	[dreg:$0x5] =	wrdreg s6  }
0xbc: {  	[dreg:$0x6] =	wrdreg s7  }
0xbd: {  	[dreg:$0x7] =	wrdreg s17  }
0xbe: {  	[dreg:$0x8] =	wrdreg s18  }
0xbf: {  	[dreg:$0x9] =	wrdreg s19  }
0xc0: {  	[dreg:$0xa] =	wrdreg $0x9  }
0xc1: {  	_ =	task.clear_ibuf [dreg:s14], $0xBFFFF;
	_ =	strace $0x90000046  }
0xc2: {  	s29 =	simm.s32 $0x9;
	_ =	strace $0x80000048  }
0xc3: {  	_ =	swait.ge [sflag:s29], $0x1  }
0xc4: {  	[sflag:s29] =	ssyncadd.s32 $0xFFFFFFFF  }
0xc5: {  	_ =	strace $0x90000048  }
0xc6: {  	_ =	sfence  }
0xc7: {  	s30 =	sld [smem:$0x0];
	_ =	sdelay $0x2  }
0xc8: {  	s31 =	sshll.u32 s1, $0xD;
	s1 =	sshrl.u32 s1, $0x2  }
0xc9: {  	s3 =	sand.u32 $0x4000, s31;
	s1 =	sadd.s32 s1, s30  }
0xca: {  	s0 =	sor.u32 s3, s0;
	s1 =	sshll.u32 s1, $0x11  }
0xcb: {  	s0 =	sor.u32 s1, s0  }
0xcc: {  	s0 =	sadd.s32 $0x8F2B, s0  }
0xcd: {  	[sflag:s0] =	ssyncadd.remote.s32 $0x1  }
0xce: {  	_ =	sfence.sel $0xFFFF  }
0xcf: {  	[dreg:$0x0] =	wrdreg $0xFFFFFFFF;
	(pc) =	sbr.abs _section_cstart, $3  }
0xd0: {  	[dreg:$0x1] =	wrdreg $0xFFFFFFFF  }
0xd1: {  	_ =	task.clear_ibuf [dreg:s14], $0x2FFFF;
	_ =	strace $0x9FFFFFFF  }
0xd2: {  	(tm) =	ssettm $0x7FFFFFFF  }
0xd3: {  	_ =	shalt  }
tec
execute0_lowered:
.L_overlay_start_1:
0x0: {  	(tag) =	ssettag $0x1  }
0x1: {  	s4 =	rddreg [dreg:$0x0]  }
0x2: {  	s6 =	rddreg [dreg:$0x1]  }
0x3: {  	s0 =	rddreg [dreg:$0x2]  }
0x4: {  	s1 =	rddreg [dreg:$0x3]  }
0x5: {  	s3 =	rddreg [dreg:$0x4]  }
0x6: {  	s7 =	rddreg [dreg:$0x5];
	s5 =	srdreg.scid  }
0x7: {  	s8 =	rddreg [dreg:$0x6];
	s2 =	stileid.u32  }
0x8: {  	s10 =	rddreg [dreg:$0x7];
	s14 =	simm.s32 $0x100;
	s15 =	simm.s32 $0x500  }
0x9: {  	s28 =	simm.s32 $0x4;
	s29 =	simm.s32 $0x2;
	s30 =	simm.s32 $0x3  }
0xa: {  	s31 =	simm.s32 $0x5;
	s9 =	sand.u32 $0x1, s5;
	s5 =	simm.s32 $0x0  }
0xb: {  	s11 =	sshll.u32 s2, $0xA;
	s12 =	sshll.u32 s9, $0x9;
	[smem:$0x7FF] =	sst s5  }
0xc: {  	s9 =	ssub.s32 $0x2, s9;
	s11 =	sor.u32 s12, s11;
	_ =	strace $0x80000047  }
0xd: {  	s19 =	sshrl.u32 s9, $0x1;
	s12 =	sshrl.u32 s11, $0x3;
	s18 =	sshll.u32 s11, $0x4  }
0xe: {  	s9 =	ssub.s32 s9, s19;
	s19 =	simm.s32 $0x600;
	s4 =	sadd.s32 s4, s12  }
0xf: {  	s16 =	sadd.s32 s6, s12;
	s17 =	sadd.s32 s10, s12;
	s20 =	sadd.s32 s7, s18  }
0x10: {  	s21 =	sadd.s32 s8, s18;
	s11 =	sor.u32 $0x800, s18;
	[dreg:$0x9] =	wrdreg s4  }
0x11: {  	s24 =	sor.u32 $0x1000, s18;
	s26 =	sor.u32 $0x1800, s18;
	[dreg:$0xa] =	wrdreg s16  }
0x12: {  	s9 =	smax.u32 s9, $0x1;
	s10 =	simm.s32 $0x8;
	[dreg:$0xb] =	wrdreg s17  }
0x13: {  	s12 =	simm.s32 $0x400;
	s18 =	simm.s32 $0x200;
	[dreg:$0xc] =	wrdreg s20  }
0x14: {  	[dreg:$0xd] =	wrdreg s21;
	s22 =	sadd.s32 s7, s11;
	s23 =	sadd.s32 s8, s11  }
0x15: {  	s25 =	sadd.s32 s7, s24;
	s6 =	sadd.s32 s8, s24;
	s7 =	sadd.s32 s7, s26  }
0x16: {  	s8 =	sadd.s32 s8, s26;
	s11 =	simm.s32 $0x80;
	s16 =	simm.s32 $0x180  }
0x17: {  	s17 =	simm.s32 $0x580;
	s20 =	simm.s32 $0x4600;
	[dreg:$0xe] =	wrdreg s22  }
0x18: {  	s21 =	simm.s32 $0x8600;
	s24 =	simm.s32 $0x10600;
	[dreg:$0xf] =	wrdreg s23  }
0x19: {  	s26 =	simm.s32 $0x1;
	s4 =	simm.s32 $0x6;
	[dreg:$0x10] =	wrdreg s25  }
0x1a: {  	s22 =	simm.s32 $0xC600;
	s23 =	simm.s32 $0x7;
	s25 =	simm.s32 $0x14600  }
.LBB2_1:
0x1b: {  	s2 =	rddreg [dreg:$0x9]  }
0x1c: {  	[tilespmem:s5], [sflag:$0x8] =	stream.linear.gather [hbm4b:s2+s5], $0x200, $0x38;
	[tilespmem:$0x18600] =	vst v63  }
0x1d: {  	_ =	swait.ge [sflag:s10], $0x200  }
0x1e: {  	[sflag:s10] =	ssyncset.done $0x0  }
0x1f: {  	[sflag:s10] =	ssyncadd.s32 $0xFFFFFE00  }
0x20: {  	[tilespmem:s12], [sflag:$0x7] =	stream.indirect.gather [hbm4b:s3+s11], $0x1, s5, s11, $0xb8;
	[tilespmem:$0x18600] =	vst v63  }
0x21: {  	s13 =	simm.s32 $0x480  }
0x22: {  	[tilespmem:s13], [sflag:$0x7] =	stream.indirect.gather [hbm4b:s3+s11], $0x1, s11, s11, $0xb8;
	[tilespmem:$0x18600] =	vst v63  }
0x23: {  	_ = 	snop  }
0x24: {  	[tilespmem:s15], [sflag:$0x7] =	stream.indirect.gather [hbm4b:s3+s11], $0x1, s14, s11, $0xb8;
	[tilespmem:$0x18600] =	vst v63  }
0x25: {  	_ = 	snop  }
0x26: {  	[tilespmem:s17], [sflag:$0x7] =	stream.indirect.gather [hbm4b:s3+s11], $0x1, s16, s11, $0xb8;
	[tilespmem:$0x18600] =	vst v63  }
0x27: {  	s13 =	rddreg [dreg:$0xa]  }
0x28: {  	[tilespmem:s18], [sflag:$0x7] =	stream.linear.gather [hbm4b:s13+s5], $0x200, $0x38;
	[tilespmem:$0x18600] =	vst v63  }
0x29: {  	_ = 	snop  }
0x2a: {  	[tilespmem:s19], [sflag:$0x1] =	stream.indirect.gather [hbm4b:s0+s11], $0x80, s5, s11, $0xb8;
	[tilespmem:$0x18600] =	vst v63  }
0x2b: {  	_ = 	snop  }
0x2c: {  	[tilespmem:s20], [sflag:$0x1] =	stream.indirect.gather [hbm4b:s1+s11], $0x80, s5, s11, $0xb8;
	[tilespmem:$0x18600] =	vst v63  }
0x2d: {  	_ = 	snop  }
0x2e: {  	[tilespmem:s21], [sflag:$0x2] =	stream.indirect.gather [hbm4b:s0+s11], $0x80, s11, s11, $0xb8;
	[tilespmem:$0x18600] =	vst v63  }
0x2f: {  	_ = 	snop  }
0x30: {  	[tilespmem:s22], [sflag:$0x2] =	stream.indirect.gather [hbm4b:s1+s11], $0x80, s11, s11, $0xb8;
	[tilespmem:$0x18600] =	vst v63  }
0x31: {  	_ =	swait.ge [sflag:s23], $0x80  }
0x32: {  	[sflag:s23] =	ssyncset.done $0x0  }
0x33: {  	[sflag:s23] =	ssyncadd.s32 $0xFFFFFF80  }
0x34: {  	_ =	swait.ge [sflag:s23], $0x80  }
0x35: {  	[sflag:s23] =	ssyncset.done $0x0  }
0x36: {  	[sflag:s23] =	ssyncadd.s32 $0xFFFFFF80  }
0x37: {  	_ =	swait.ge [sflag:s23], $0x80  }
0x38: {  	[sflag:s23] =	ssyncset.done $0x0  }
0x39: {  	[sflag:s23] =	ssyncadd.s32 $0xFFFFFF80  }
0x3a: {  	_ =	swait.ge [sflag:s23], $0x80  }
0x3b: {  	[sflag:s23] =	ssyncset.done $0x0  }
0x3c: {  	[sflag:s23] =	ssyncadd.s32 $0xFFFFFF80  }
0x3d: {  	_ =	swait.ge [sflag:s23], $0x200  }
0x3e: {  	[sflag:s23] =	ssyncset.done $0x0  }
0x3f: {  	[sflag:s23] =	ssyncadd.s32 $0xFFFFFE00  }
0x40: {  	v0 =	vld [tilespmem:$0x400]  }
0x41: {  	v1 =	vld [tilespmem:$0x200]  }
0x42: {  	v2 =	vld [tilespmem:$0x410]  }
0x43: {  	v3 =	vld [tilespmem:$0x210]  }
0x44: {  	v4 =	vld [tilespmem:$0x420]  }
0x45: {  	v5 =	vld [tilespmem:$0x220]  }
0x46: {  	v6 =	vld [tilespmem:$0x430]  }
0x47: {  	v7 =	vld [tilespmem:$0x230]  }
0x48: {  	v8 =	vld [tilespmem:$0x440]  }
0x49: {  	v9 =	vld [tilespmem:$0x240]  }
0x4a: {  	v10 =	vld [tilespmem:$0x450]  }
0x4b: {  	v11 =	vld [tilespmem:$0x250]  }
0x4c: {  	v12 =	vld [tilespmem:$0x460]  }
0x4d: {  	v13 =	vld [tilespmem:$0x260]  }
0x4e: {  	v14 =	vld [tilespmem:$0x470]  }
0x4f: {  	v15 =	vld [tilespmem:$0x270]  }
0x50: {  	v16 =	vld [tilespmem:$0x480]  }
0x51: {  	v17 =	vld [tilespmem:$0x280]  }
0x52: {  	v18 =	vld [tilespmem:$0x490]  }
0x53: {  	v19 =	vld [tilespmem:$0x290]  }
0x54: {  	v20 =	vld [tilespmem:$0x4A0]  }
0x55: {  	v21 =	vld [tilespmem:$0x2A0]  }
0x56: {  	v22 =	vld [tilespmem:$0x4B0]  }
0x57: {  	v23 =	vld [tilespmem:$0x2B0]  }
0x58: {  	v24 =	vld [tilespmem:$0x4C0]  }
0x59: {  	v25 =	vld [tilespmem:$0x2C0]  }
0x5a: {  	v26 =	vld [tilespmem:$0x4D0]  }
0x5b: {  	v27 =	vld [tilespmem:$0x2D0]  }
0x5c: {  	v28 =	vld [tilespmem:$0x4E0]  }
0x5d: {  	v29 =	vld [tilespmem:$0x2E0]  }
0x5e: {  	v30 =	vld [tilespmem:$0x4F0]  }
0x5f: {  	v31 =	vld [tilespmem:$0x2F0]  }
0x60: {  	v32 =	vld [tilespmem:$0x500]  }
0x61: {  	v33 =	vld [tilespmem:$0x300]  }
0x62: {  	v34 =	vld [tilespmem:$0x510]  }
0x63: {  	v35 =	vld [tilespmem:$0x310]  }
0x64: {  	v36 =	vld [tilespmem:$0x520]  }
0x65: {  	v45 =	vld [tilespmem:$0x320];
	v0 =	vmin.f32 v0, v1  }
0x66: {  	v47 =	vld [tilespmem:$0x530];
	v46 =	vmin.f32 v2, v3;
	[tilespmem:$0x400] =	vst v0  }
0x67: {  	v49 =	vld [tilespmem:$0x330];
	v48 =	vmin.f32 v4, v5;
	[tilespmem:$0x410] =	vst v46  }
0x68: {  	v51 =	vld [tilespmem:$0x540];
	v50 =	vmin.f32 v6, v7;
	[tilespmem:$0x420] =	vst v48  }
0x69: {  	v53 =	vld [tilespmem:$0x340];
	v52 =	vmin.f32 v8, v9;
	[tilespmem:$0x430] =	vst v50  }
0x6a: {  	v55 =	vld [tilespmem:$0x550];
	v54 =	vmin.f32 v10, v11;
	[tilespmem:$0x440] =	vst v52  }
0x6b: {  	v57 =	vld [tilespmem:$0x350];
	v56 =	vmin.f32 v12, v13;
	[tilespmem:$0x450] =	vst v54  }
0x6c: {  	v59 =	vld [tilespmem:$0x560];
	v58 =	vmin.f32 v14, v15;
	[tilespmem:$0x460] =	vst v56  }
0x6d: {  	v61 =	vld [tilespmem:$0x360];
	v60 =	vmin.f32 v16, v17;
	[tilespmem:$0x470] =	vst v58  }
0x6e: {  	v63 =	vld [tilespmem:$0x570];
	v62 =	vmin.f32 v18, v19;
	[tilespmem:$0x480] =	vst v60  }
0x6f: {  	v38 =	vld [tilespmem:$0x3A0];
	v20 =	vmin.f32 v20, v21;
	[tilespmem:$0x490] =	vst v62  }
0x70: {  	v40 =	vld [tilespmem:$0x5B0];
	v22 =	vmin.f32 v22, v23;
	[tilespmem:$0x4A0] =	vst v20  }
0x71: {  	v42 =	vld [tilespmem:$0x3B0];
	v24 =	vmin.f32 v24, v25;
	[tilespmem:$0x4B0] =	vst v22  }
0x72: {  	v44 =	vld [tilespmem:$0x5C0];
	v26 =	vmin.f32 v26, v27;
	[tilespmem:$0x4C0] =	vst v24  }
0x73: {  	v21 =	vld [tilespmem:$0x370];
	v28 =	vmin.f32 v28, v29;
	[tilespmem:$0x4D0] =	vst v26  }
0x74: {  	v23 =	vld [tilespmem:$0x580];
	v30 =	vmin.f32 v30, v31;
	[tilespmem:$0x4E0] =	vst v28  }
0x75: {  	v25 =	vld [tilespmem:$0x380];
	v37 =	vmin.f32 v32, v33;
	[tilespmem:$0x4F0] =	vst v30  }
0x76: {  	v27 =	vld [tilespmem:$0x590];
	v39 =	vmin.f32 v34, v35;
	[tilespmem:$0x500] =	vst v37  }
0x77: {  	v29 =	vld [tilespmem:$0x390];
	v41 =	vmin.f32 v36, v45;
	[tilespmem:$0x510] =	vst v39  }
0x78: {  	v31 =	vld [tilespmem:$0x5A0];
	v43 =	vmin.f32 v47, v49;
	[tilespmem:$0x520] =	vst v41  }
0x79: {  	v45 =	vmin.f32 v51, v53;
	[tilespmem:$0x530] =	vst v43;
	v46 =	vld [tilespmem:$0x3C0]  }
0x7a: {  	v47 =	vmin.f32 v55, v57;
	[tilespmem:$0x540] =	vst v45;
	v48 =	vld [tilespmem:$0x5D0]  }
0x7b: {  	v49 =	vmin.f32 v59, v61;
	[tilespmem:$0x550] =	vst v47;
	v50 =	vld [tilespmem:$0x3D0]  }
0x7c: {  	v59 =	vmin.f32 v40, v42;
	[tilespmem:$0x560] =	vst v49;
	v52 =	vld [tilespmem:$0x5E0]  }
0x7d: {  	v54 =	vld [tilespmem:$0x3E0];
	[tilespmem:$0x5B0] =	vst v59;
	v51 =	vmin.f32 v63, v21  }
0x7e: {  	v56 =	vld [tilespmem:$0x5F0];
	v53 =	vmin.f32 v23, v25;
	[tilespmem:$0x570] =	vst v51  }
0x7f: {  	v58 =	vld [tilespmem:$0x3F0];
	v55 =	vmin.f32 v27, v29;
	[tilespmem:$0x580] =	vst v53  }
0x80: {  	v57 =	vmin.f32 v31, v38;
	[tilespmem:$0x590] =	vst v55  }
0x81: {  	[tilespmem:$0x5A0] =	vst v57;
	v60 =	vmin.f32 v44, v46  }
0x82: {  	v61 =	vmin.f32 v48, v50;
	[tilespmem:$0x5C0] =	vst v60  }
0x83: {  	v62 =	vmin.f32 v52, v54;
	[tilespmem:$0x5D0] =	vst v61  }
0x84: {  	v63 =	vmin.f32 v56, v58;
	[tilespmem:$0x5E0] =	vst v62  }
0x85: {  	s13 =	rddreg [dreg:$0xb];
	[tilespmem:$0x5F0] =	vst v63  }
0x86: {  	[hbm4b:s13+s5] =	stream.linear.scatter [tilespmem:s12], [sflag:$0x7], $0x200, $0x38;
	[tilespmem:$0x18600] =	vst v63  }
0x87: {  	_ = 	snop  }
0x88: {  	[tilespmem:s24], [sflag:$0x3] =	stream.indirect.gather [hbm4b:s0+s11], $0x80, s14, s11, $0xb8;
	[tilespmem:$0x18600] =	vst v63  }
0x89: {  	_ = 	snop  }
0x8a: {  	[tilespmem:s25], [sflag:$0x3] =	stream.indirect.gather [hbm4b:s1+s11], $0x80, s14, s11, $0xb8;
	[tilespmem:$0x18600] =	vst v63  }
0x8b: {  	_ =	swait.ge [sflag:s26], $0x4000  }
0x8c: {  	[sflag:s26] =	ssyncset.done $0x0  }
0x8d: {  	[sflag:s26] =	ssyncadd.s32 $0xFFFFC000  }
0x8e: {  	_ =	swait.ge [sflag:s26], $0x4000  }
0x8f: {  	[sflag:s26] =	ssyncset.done $0x0  }
0x90: {  	s2 =	rddreg [dreg:$0xc];
	[sflag:s26] =	ssyncadd.s32 $0xFFFFC000  }
0x91: {  	[hbm4b:s2+s5] =	stream.linear.scatter [tilespmem:s19], [sflag:$0x4], $0x4000, $0x38;
	[tilespmem:$0x18600] =	vst v63  }
0x92: {  	s13 =	rddreg [dreg:$0xd]  }
0x93: {  	[hbm4b:s13+s5] =	stream.linear.scatter [tilespmem:s20], [sflag:$0x4], $0x4000, $0x38;
	[tilespmem:$0x18600] =	vst v63  }
0x94: {  	_ =	swait.ge [sflag:s28], $0x4000  }
0x95: {  	[sflag:s28] =	ssyncset.done $0x0  }
0x96: {  	[sflag:s28] =	ssyncadd.s32 $0xFFFFC000  }
0x97: {  	_ =	swait.ge [sflag:s28], $0x4000  }
0x98: {  	[sflag:s28] =	ssyncset.done $0x0  }
0x99: {  	[sflag:s28] =	ssyncadd.s32 $0xFFFFC000  }
0x9a: {  	[tilespmem:s19], [sflag:$0x1] =	stream.indirect.gather [hbm4b:s0+s11], $0x80, s16, s11, $0xb8;
	[tilespmem:$0x18600] =	vst v63  }
0x9b: {  	_ = 	snop  }
0x9c: {  	[tilespmem:s20], [sflag:$0x1] =	stream.indirect.gather [hbm4b:s1+s11], $0x80, s16, s11, $0xb8;
	[tilespmem:$0x18600] =	vst v63  }
0x9d: {  	_ =	swait.ge [sflag:s29], $0x4000  }
0x9e: {  	[sflag:s29] =	ssyncset.done $0x0  }
0x9f: {  	[sflag:s29] =	ssyncadd.s32 $0xFFFFC000  }
0xa0: {  	_ =	swait.ge [sflag:s29], $0x4000  }
0xa1: {  	[sflag:s29] =	ssyncset.done $0x0  }
0xa2: {  	s2 =	rddreg [dreg:$0xe];
	[sflag:s29] =	ssyncadd.s32 $0xFFFFC000  }
0xa3: {  	[hbm4b:s2+s5] =	stream.linear.scatter [tilespmem:s21], [sflag:$0x5], $0x4000, $0x38;
	[tilespmem:$0x18600] =	vst v63  }
0xa4: {  	s13 =	rddreg [dreg:$0xf]  }
0xa5: {  	[hbm4b:s13+s5] =	stream.linear.scatter [tilespmem:s22], [sflag:$0x5], $0x4000, $0x38;
	[tilespmem:$0x18600] =	vst v63  }
0xa6: {  	_ =	swait.ge [sflag:s30], $0x4000  }
0xa7: {  	[sflag:s30] =	ssyncset.done $0x0  }
0xa8: {  	[sflag:s30] =	ssyncadd.s32 $0xFFFFC000  }
0xa9: {  	_ =	swait.ge [sflag:s30], $0x4000  }
0xaa: {  	[sflag:s30] =	ssyncset.done $0x0  }
0xab: {  	s13 =	rddreg [dreg:$0x10];
	[sflag:s30] =	ssyncadd.s32 $0xFFFFC000  }
0xac: {  	[hbm4b:s13+s5] =	stream.linear.scatter [tilespmem:s24], [sflag:$0x6], $0x4000, $0x38;
	[tilespmem:$0x18600] =	vst v63  }
0xad: {  	_ = 	snop  }
0xae: {  	[hbm4b:s6+s5] =	stream.linear.scatter [tilespmem:s25], [sflag:$0x6], $0x4000, $0x38;
	[tilespmem:$0x18600] =	vst v63  }
0xaf: {  	_ =	swait.ge [sflag:s26], $0x4000  }
0xb0: {  	[sflag:s26] =	ssyncset.done $0x0  }
0xb1: {  	[sflag:s26] =	ssyncadd.s32 $0xFFFFC000  }
0xb2: {  	_ =	swait.ge [sflag:s26], $0x4000  }
0xb3: {  	[sflag:s26] =	ssyncset.done $0x0  }
0xb4: {  	[sflag:s26] =	ssyncadd.s32 $0xFFFFC000  }
0xb5: {  	[hbm4b:s7+s5] =	stream.linear.scatter [tilespmem:s19], [sflag:$0x4], $0x4000, $0x38;
	[tilespmem:$0x18600] =	vst v63  }
0xb6: {  	_ = 	snop  }
0xb7: {  	[hbm4b:s8+s5] =	stream.linear.scatter [tilespmem:s20], [sflag:$0x4], $0x4000, $0x38;
	[tilespmem:$0x18600] =	vst v63  }
0xb8: {  	_ =	swait.ge [sflag:s23], $0x200  }
0xb9: {  	[sflag:s23] =	ssyncset.done $0x0  }
0xba: {  	[sflag:s23] =	ssyncadd.s32 $0xFFFFFE00  }
0xbb: {  	_ =	swait.ge [sflag:s28], $0x4000  }
0xbc: {  	[sflag:s28] =	ssyncset.done $0x0  }
0xbd: {  	[sflag:s28] =	ssyncadd.s32 $0xFFFFC000  }
0xbe: {  	_ =	swait.ge [sflag:s28], $0x4000  }
0xbf: {  	[sflag:s28] =	ssyncset.done $0x0  }
0xc0: {  	[sflag:s28] =	ssyncadd.s32 $0xFFFFC000  }
0xc1: {  	_ =	swait.ge [sflag:s31], $0x4000  }
0xc2: {  	[sflag:s31] =	ssyncset.done $0x0  }
0xc3: {  	[sflag:s31] =	ssyncadd.s32 $0xFFFFC000  }
0xc4: {  	_ =	swait.ge [sflag:s31], $0x4000  }
0xc5: {  	[sflag:s31] =	ssyncset.done $0x0  }
0xc6: {  	[sflag:s31] =	ssyncadd.s32 $0xFFFFC000  }
0xc7: {  	p0 =	sne.s32 s9, $0x1;
	_ =	swait.ge [sflag:s4], $0x4000  }
.Ltmp0:
0xc8: {  	[sflag:s4] =	ssyncset.done $0x0;
	(pc) =	sbr.rel @p0 .LBB2_1-.Ltmp0, $4  }
0xc9: {  	[sflag:s4] =	ssyncadd.s32 $0xFFFFC000  }
0xca: {  	_ =	swait.ge [sflag:s4], $0x4000  }
0xcb: {  	[sflag:s4] =	ssyncset.done $0x0  }
0xcc: {  	s9 =	sadd.s32 $0xFFFFFFFF, s9;
	[sflag:s4] =	ssyncadd.s32 $0xFFFFC000  }
0xcd: {  	_ =	sfence.sel $0x180000  }
0xce: {  	[bflag:$0x0] =	sbarrier.arrive $0xFFFF  }
0xcf: {  	_ =	strace $0x90000047  }
0xd0: {  	s0 =	stileid.u32;
	[bflag:$0x2] =	sbarrier.arrive $0xFFFF  }
0xd1: {  	p0 =	sne.s32 s0, $0x0;
	s0 =	rddreg [dreg:$0x8]  }
0xd2: {  	s0 =	sadd.s32 @!p0 $0x100000, s0  }
0xd3: {  	[sflag:s0] =	ssyncadd.tile.s32 @!p0 $0x1;
	_ =	shalt  }
.Lfunc_end2:
_tile_overlayer_lowered:
.L_overlay_start_2:
0xd4: {  	(tag) =	ssettag $0x2  }
0xd5: {  	s0 =	rddreg [dreg:$0x0];
	s2 =	stileid.u32  }
0xd6: {  	s1 =	rddreg [dreg:$0x1];
	p0 =	sne.s32 s2, $0x0  }
0xd7: {  	s3 =	rddreg [dreg:$0x2];
	[bflag:$0x3] =	sbarrier.arrive $0xFFFF;
	s2 =	simm.s32 @!p0 $0x1C08  }
0xd8: {  	[timem:s3], [sflag:s2] =	dma.local @!p0 [hbm:s0], s1  }
0xd9: {  	s0 =	simm.s32 @!p0 $0x8  }
0xda: {  	_ =	swait.ge @!p0 [sflag:s0], s1  }
0xdb: {  	s1 =	ssub.s32 @!p0 $0x0, s1;
	[sflag:s0] =	ssyncset.done @!p0 $0x0  }
0xdc: {  	[sflag:s0] =	ssyncadd.s32 @!p0 s1  }
0xdd: {  	[bflag:$0x3] =	sbarrier.arrive $0xFFFF  }
0xde: {  	_ =	shalt  }

</sc_bundles>
